<compile_context>
chip_gen: v7x
topology: tpu7x:2x2x1
jax: 0.10.2.dev20260603
libtpu: 0.0.44.dev20260713+nightly
codegen_flags: <defaults>
</compile_context>

<pallas_src>
import functools

import jax
import jax.numpy as jnp
from jax import lax
from jax.experimental import pallas as pl
from jax.experimental.pallas import tpu as pltpu
from jax.experimental.pallas import tpu_sc as plsc

N = 10000
E = 320000
F_IN = 128
F_OUT = 20
G = 64
N_OUT = 5
FP = 32
NC = 2
NS = 16
EPT = E // (NC * NS)
K = 80
CHUNKS = EPT // K
RPT = 632
RLAST = N - (NS - 1) * RPT


def _prep_body(x_ref, w_ref, att2_ref, hpad_ref, anode_ref, c_ref):
    h = jnp.dot(x_ref[...], w_ref[...], preferred_element_type=jnp.float32)
    lane = lax.broadcasted_iota(jnp.int32, (1, FP), 1)
    hpad = h + jnp.where(lane == F_OUT, 1.0, 0.0)
    hpad_ref[...] = hpad
    anode = jnp.dot(hpad, att2_ref[...], preferred_element_type=jnp.float32)
    anode_ref[...] = anode
    m = jnp.max(anode, axis=0, keepdims=True)
    ub = m[0:1, 0:1] + m[0:1, 1:2]
    c = jnp.where(ub >= 0.0, ub, 0.2 * ub)
    c_ref[...] = jnp.broadcast_to(c, (1, 128))


_prep = pl.pallas_call(
    _prep_body,
    out_shape=[
        jax.ShapeDtypeStruct((N, FP), jnp.float32),
        jax.ShapeDtypeStruct((N, 2), jnp.float32),
        jax.ShapeDtypeStruct((1, 128), jnp.float32),
    ],
)


_mesh = plsc.VectorSubcoreMesh(core_axis_name="c", subcore_axis_name="s",
                               num_cores=NC, num_subcores=NS)


@functools.partial(
    pl.kernel,
    mesh=_mesh,
    compiler_params=pltpu.CompilerParams(needs_layout_passes=False,
                                         use_tc_tiling_on_sc=False),
    out_type=jax.ShapeDtypeStruct((NC, N, FP), jnp.float32),
    scratch_types=[
        pltpu.VMEM((2 * N,), jnp.float32),
        pltpu.VMEM((16,), jnp.float32),
        pltpu.VMEM((EPT,), jnp.int32),
        pltpu.VMEM((EPT,), jnp.int32),
        pltpu.VMEM((K, FP), jnp.float32),
        pltpu.VMEM((K, FP), jnp.float32),
        pltpu.VMEM((K,), jnp.float32),
        pltpu.VMEM((RPT, FP), jnp.float32),
        pltpu.VMEM_SHARED((N, FP), jnp.float32),
        pltpu.SemaphoreType.DMA,
        pltpu.SemaphoreType.DMA,
        pltpu.SemaphoreType.DMA,
        pltpu.SemaphoreType.DMA,
        pltpu.SemaphoreType.DMA,
    ],
)
def _edge_kernel(hpad_hbm, eidx_hbm, anode_hbm, c_hbm,
                 out_hbm, anode_v, c_v, srcb, dstb, gbuf0, gbuf1, exbuf,
                 zbuf, acc, insem, gsem0, gsem1, ssem0, ssem1):
    cid = lax.axis_index("c")
    sid = lax.axis_index("s")
    ebase = (cid * NS + sid) * EPT

    pltpu.async_copy(anode_hbm, anode_v, insem)
    pltpu.async_copy(c_hbm, c_v, insem)
    pltpu.async_copy(eidx_hbm.at[0, pl.ds(ebase, EPT)], srcb, insem)
    pltpu.async_copy(eidx_hbm.at[1, pl.ds(ebase, EPT)], dstb, insem)

    z16 = jnp.zeros((16,), jnp.float32)

    def _zrow(i, carry):
        zbuf[i, pl.ds(0, 16)] = z16
        zbuf[i, pl.ds(16, 16)] = z16
        return carry

    lax.fori_loop(0, RPT, _zrow, 0)

    @pl.when(sid < NS - 1)
    def _zero_main():
        pltpu.sync_copy(zbuf, acc.at[pl.ds(sid * RPT, RPT)])

    @pl.when(sid == NS - 1)
    def _zero_last():
        pltpu.sync_copy(zbuf.at[pl.ds(0, RLAST)],
                        acc.at[pl.ds((NS - 1) * RPT, RLAST)])

    pltpu.make_async_copy(anode_hbm, anode_v, insem).wait()
    pltpu.make_async_copy(c_hbm, c_v, insem).wait()
    pltpu.make_async_copy(eidx_hbm.at[0, pl.ds(ebase, EPT)], srcb,
                          insem).wait()
    pltpu.make_async_copy(eidx_hbm.at[1, pl.ds(ebase, EPT)], dstb,
                          insem).wait()
    plsc.subcore_barrier()

    cvec = c_v[...]
    gbufs = (gbuf0, gbuf1)
    gsems = (gsem0, gsem1)
    ssems = (ssem0, ssem1)
    pltpu.async_copy(hpad_hbm.at[srcb.at[pl.ds(0, K)]], gbuf0, gsem0)

    def _chunk(t, carry):
        for p in range(2):
            @pl.when(lax.rem(t, 2) == p)
            def _body(p=p):
                gb, go = gbufs[p], gbufs[1 - p]
                pltpu.make_async_copy(hpad_hbm.at[srcb.at[pl.ds(t * K, K)]],
                                      gb, gsems[p]).wait()
                @pl.when(t >= 1)
                def _drain():
                    pltpu.make_async_copy(
                        go, acc.at[dstb.at[pl.ds((t - 1) * K, K)]],
                        ssems[1 - p]).wait()

                @pl.when(t + 1 < CHUNKS)
                def _prefetch():
                    pltpu.async_copy(
                        hpad_hbm.at[srcb.at[pl.ds((t + 1) * K, K)]],
                        go, gsems[1 - p])

                @plsc.parallel_loop(0, K, step=16, unroll=2)
                def _exg(o):
                    s16 = srcb[pl.ds(t * K + o, 16)]
                    d16 = dstb[pl.ds(t * K + o, 16)]
                    e = (plsc.load_gather(anode_v, [s16 * 2])
                         + plsc.load_gather(anode_v, [d16 * 2 + 1]))
                    e = jnp.where(e >= 0.0, e, 0.2 * e)
                    exbuf[pl.ds(o, 16)] = jnp.exp(e - cvec)

                @plsc.parallel_loop(0, K, step=1, unroll=8)
                def _scale(j):
                    w = plsc.load_gather(exbuf,
                                         [jnp.full((16,), j, jnp.int32)])
                    gb[j, pl.ds(0, 16)] = gb[j, pl.ds(0, 16)] * w
                    gb[j, pl.ds(16, 16)] = gb[j, pl.ds(16, 16)] * w
                pltpu.async_copy(gb, acc.at[dstb.at[pl.ds(t * K, K)]],
                                 ssems[p], add=True)
        return carry

    lax.fori_loop(0, CHUNKS, _chunk, 0)
    pltpu.make_async_copy(gbufs[(CHUNKS - 1) % 2],
                          acc.at[dstb.at[pl.ds((CHUNKS - 1) * K, K)]],
                          ssems[(CHUNKS - 1) % 2]).wait()
    plsc.subcore_barrier()

    @pl.when(sid < NS - 1)
    def _out_main():
        pltpu.sync_copy(acc.at[pl.ds(sid * RPT, RPT)],
                        out_hbm.at[cid, pl.ds(sid * RPT, RPT)])

    @pl.when(sid == NS - 1)
    def _out_last():
        pltpu.sync_copy(acc.at[pl.ds((NS - 1) * RPT, RLAST)],
                        out_hbm.at[cid, pl.ds((NS - 1) * RPT, RLAST)])


def _finish_body(p_ref, hpad_ref, anode_ref, c_ref, batch_ref,
                 bgat_ref, outw_ref, outb_ref, o_ref):
    tot = p_ref[0] + p_ref[1]
    e = anode_ref[:, 0:1] + anode_ref[:, 1:2]
    e = jnp.where(e >= 0.0, e, 0.2 * e)
    es = jnp.exp(e - c_ref[0:1, 0:1])
    tot = tot + es * hpad_ref[...]
    node = tot[:, :F_OUT] / (tot[:, F_OUT:F_OUT + 1] + 1e-16) + bgat_ref[...]
    node = jnp.where(node >= 0.0, node, 0.01 * node)
    gids = lax.broadcasted_iota(jnp.int32, (G, N), 0)
    onehot = (batch_ref[...] == gids).astype(jnp.float32)
    sums = lax.dot_general(onehot, node, (((1,), (0,)), ((), ())),
                           preferred_element_type=jnp.float32)
    cnt = lax.dot_general(onehot, jnp.ones((N, 1), jnp.float32),
                          (((1,), (0,)), ((), ())),
                          preferred_element_type=jnp.float32)
    pooled = sums / jnp.maximum(cnt, 1.0)
    logits = jnp.dot(pooled, outw_ref[...],
                     preferred_element_type=jnp.float32) + outb_ref[...]
    mx = jnp.max(logits, axis=1, keepdims=True)
    ex2 = jnp.exp(logits - mx)
    o_ref[...] = ex2 / jnp.sum(ex2, axis=1, keepdims=True)


_finish = pl.pallas_call(
    _finish_body,
    out_shape=jax.ShapeDtypeStruct((G, N_OUT), jnp.float32),
)


def kernel(x, edge_index, edge_attr, batch, W, att_src, att_dst, b_gat,
           out_W, out_b):
    del edge_attr
    w_pad = jnp.concatenate(
        [W, jnp.zeros((F_IN, FP - F_OUT), jnp.float32)], axis=1)
    att2 = jnp.stack(
        [jnp.concatenate([att_src, jnp.zeros((FP - F_OUT,), jnp.float32)]),
         jnp.concatenate([att_dst, jnp.zeros((FP - F_OUT,), jnp.float32)])],
        axis=1)
    hpad, anode, crow = _prep(x, w_pad, att2)
    partials = _edge_kernel(hpad, edge_index, anode.reshape(2 * N),
                            crow[0, :16])
    return _finish(partials, hpad, anode, crow, batch.reshape(1, N),
                   b_gat.reshape(1, F_OUT), out_W, out_b)

# --- scband reference (transcript-rebuilt; emitter-appended) ---
"""Pipeline reference for scband-att-gnn-4277787427601 (READ-ONLY COPY).

The authoritative reference and input builder live on the scoring server;
editing this copy changes nothing except your own understanding.
"""

import jax, jax.numpy as jnp
import numpy as np

N = 10000
E = 320000
F_IN = 128
F_OUT = 20
G = 64
D_EDGE = 4
N_OUT = 5


def setup_inputs(seed: int = 0) -> dict:
    key = jax.random.key(seed)
    ks = jax.random.split(key, 10)
    x = jax.random.normal(ks[0], (N, F_IN), dtype=jnp.float32)
    edge_index = jax.random.randint(ks[1], (2, E), 0, N, dtype=jnp.int32)
    edge_attr = jax.random.normal(ks[2], (E, D_EDGE), dtype=jnp.float32)
    batch = jnp.sort(jax.random.randint(ks[3], (N,), 0, G, dtype=jnp.int32))
    # GATConv parameters (heads=1, out_channels=20)
    W = jax.random.normal(ks[4], (F_IN, F_OUT), dtype=jnp.float32) * 0.1
    att_src = jax.random.normal(ks[5], (F_OUT,), dtype=jnp.float32) * 0.1
    att_dst = jax.random.normal(ks[6], (F_OUT,), dtype=jnp.float32) * 0.1
    b_gat = jnp.zeros((F_OUT,), dtype=jnp.float32)
    # output Linear(20 -> 5)
    out_W = jax.random.normal(ks[7], (F_OUT, N_OUT), dtype=jnp.float32) * 0.1
    out_b = jnp.zeros((N_OUT,), dtype=jnp.float32)
    return {"x": x, "edge_index": edge_index, "edge_attr": edge_attr, "batch": batch,
            "W": W, "att_src": att_src, "att_dst": att_dst, "b_gat": b_gat,
            "out_W": out_W, "out_b": out_b}


def reference(x, edge_index, edge_attr, batch, W, att_src, att_dst, b_gat, out_W, out_b):
    # GATConv (PyG semantics, eval mode: dropout off, add_self_loops=True)
    loops = jnp.arange(N, dtype=edge_index.dtype)
    src = jnp.concatenate([edge_index[0], loops])
    dst = jnp.concatenate([edge_index[1], loops])
    h = x @ W  # [N, F_OUT]
    a_src = (h * att_src).sum(axis=-1)  # [N]
    a_dst = (h * att_dst).sum(axis=-1)  # [N]
    e = a_src[src] + a_dst[dst]  # gather per edge
    e = jax.nn.leaky_relu(e, negative_slope=0.2)
    # softmax over incoming edges of each dst node
    m = jax.lax.stop_gradient(jax.ops.segment_max(e, dst, num_segments=N))
    ex = jnp.exp(e - m[dst])
    denom = jax.ops.segment_sum(ex, dst, num_segments=N)
    coef = ex / (denom[dst] + 1e-16)
    msg = h[src] * coef[:, None]  # gather + weight
    node_out = jax.ops.segment_sum(msg, dst, num_segments=N) + b_gat  # scatter-add
    # self.relu = LeakyReLU (default slope 0.01)
    node_out = jax.nn.leaky_relu(node_out, negative_slope=0.01)
    # global mean pool over batch
    sums = jax.ops.segment_sum(node_out, batch, num_segments=G)
    cnt = jax.ops.segment_sum(jnp.ones((N,), dtype=jnp.float32), batch, num_segments=G)
    pooled = sums / jnp.maximum(cnt, 1.0)[:, None]
    logits = pooled @ out_W + out_b
    return jax.nn.softmax(logits, axis=-1)

if __name__ == "__main__":
    import jax
    _d = setup_inputs()
    print(jax.jit(kernel)(*tuple(_d.values())))

</pallas_src>

<mosaic_0001>
#map = affine_map<(d0, d1) -> (0, 0)>
#map1 = affine_map<(d0, d1) -> (0)>
#map2 = affine_map<(d0, d1) -> (0, 0, 0)>
module attributes {stable_mosaic.version = 14 : i64} {
  func.func @_edge_kernel(%arg0: i32, %arg1: i32, %arg2: memref<10000x32xf32, #tpu.memory_space<hbm>>, %arg3: memref<2x320000xi32, #tpu.memory_space<hbm>>, %arg4: memref<20000xf32, #tpu.memory_space<hbm>>, %arg5: memref<16xf32, #tpu.memory_space<hbm>>, %arg6: memref<2x10000x32xf32, #tpu.memory_space<hbm>>, %arg7: memref<20000xf32, #tpu.memory_space<vmem>>, %arg8: memref<16xf32, #tpu.memory_space<vmem>>, %arg9: memref<10000xi32, #tpu.memory_space<vmem>>, %arg10: memref<10000xi32, #tpu.memory_space<vmem>>, %arg11: memref<80x32xf32, #tpu.memory_space<vmem>>, %arg12: memref<80x32xf32, #tpu.memory_space<vmem>>, %arg13: memref<80xf32, #tpu.memory_space<vmem>>, %arg14: memref<632x32xf32, #tpu.memory_space<vmem>>, %arg15: memref<10000x32xf32, #tpu.memory_space<vmem_shared>>, %arg16: memref<!tpu.dma_semaphore, #tpu.memory_space<semaphore_mem>>, %arg17: memref<!tpu.dma_semaphore, #tpu.memory_space<semaphore_mem>>, %arg18: memref<!tpu.dma_semaphore, #tpu.memory_space<semaphore_mem>>, %arg19: memref<!tpu.dma_semaphore, #tpu.memory_space<semaphore_mem>>, %arg20: memref<!tpu.dma_semaphore, #tpu.memory_space<semaphore_mem>>) attributes {dimension_semantics = [#tpu.dimension_semantics<core_parallel>, #tpu.dimension_semantics<subcore_parallel>], iteration_bounds = array<i64: 2, 16>, scalar_prefetch = 0 : i64, scratch_operands = 14 : i64, tpu.core_type = #tpu.core_type<sc_vector_subcore>, window_params = [{transform_indices = #map}, {transform_indices = #map}, {transform_indices = #map1}, {transform_indices = #map1}, {transform_indices = #map2}]} {
    %mul3A = arith.constant 16 : i32
    %mul3A_0 = arith.muli %arg0, %mul3A : i32
    %add3A = arith.addi %mul3A_0, %arg1 : i32
    %mul3A_1 = arith.constant 10000 : i32
    %mul3A_2 = arith.muli %add3A, %mul3A_1 : i32
    tpu.enqueue_dma source(%arg4 : memref<20000xf32, #tpu.memory_space<hbm>>) target(%arg7 : memref<20000xf32, #tpu.memory_space<vmem>>) target_semaphore(%arg16 : memref<!tpu.dma_semaphore, #tpu.memory_space<semaphore_mem>>)
    tpu.enqueue_dma source(%arg5 : memref<16xf32, #tpu.memory_space<hbm>>) target(%arg8 : memref<16xf32, #tpu.memory_space<vmem>>) target_semaphore(%arg16 : memref<!tpu.dma_semaphore, #tpu.memory_space<semaphore_mem>>)
    %dma_start3A = arith.constant 0 : i32
    %dma_start3A_3 = tpu.memref_slice %arg3[%dma_start3A, %mul3A_2] : memref<2x320000xi32, #tpu.memory_space<hbm>> -> memref<1x10000xi32, #tpu.memory_space<hbm>>
    %dma_start3A_4 = tpu.memref_squeeze %dma_start3A_3 : memref<1x10000xi32, #tpu.memory_space<hbm>> -> memref<10000xi32, #tpu.memory_space<hbm>>
    %dma_start3A_5 = tpu.memref_slice %arg3[%dma_start3A, %mul3A_2] : memref<2x320000xi32, #tpu.memory_space<hbm>> -> memref<1x10000xi32, #tpu.memory_space<hbm>>
    %dma_start3A_6 = tpu.memref_squeeze %dma_start3A_5 : memref<1x10000xi32, #tpu.memory_space<hbm>> -> memref<10000xi32, #tpu.memory_space<hbm>>
    tpu.enqueue_dma source(%dma_start3A_6 : memref<10000xi32, #tpu.memory_space<hbm>>) target(%arg9 : memref<10000xi32, #tpu.memory_space<vmem>>) target_semaphore(%arg16 : memref<!tpu.dma_semaphore, #tpu.memory_space<semaphore_mem>>)
    %dma_start3A_7 = arith.constant 1 : i32
    %dma_start3A_8 = tpu.memref_slice %arg3[%dma_start3A_7, %mul3A_2] : memref<2x320000xi32, #tpu.memory_space<hbm>> -> memref<1x10000xi32, #tpu.memory_space<hbm>>
    %dma_start3A_9 = tpu.memref_squeeze %dma_start3A_8 : memref<1x10000xi32, #tpu.memory_space<hbm>> -> memref<10000xi32, #tpu.memory_space<hbm>>
    %dma_start3A_10 = tpu.memref_slice %arg3[%dma_start3A_7, %mul3A_2] : memref<2x320000xi32, #tpu.memory_space<hbm>> -> memref<1x10000xi32, #tpu.memory_space<hbm>>
    %dma_start3A_11 = tpu.memref_squeeze %dma_start3A_10 : memref<1x10000xi32, #tpu.memory_space<hbm>> -> memref<10000xi32, #tpu.memory_space<hbm>>
    tpu.enqueue_dma source(%dma_start3A_11 : memref<10000xi32, #tpu.memory_space<hbm>>) target(%arg10 : memref<10000xi32, #tpu.memory_space<vmem>>) target_semaphore(%arg16 : memref<!tpu.dma_semaphore, #tpu.memory_space<semaphore_mem>>)
    %broadcast_in_dim3A = arith.constant 0.000000e+00 : f32
    %broadcast_in_dim3A_12 = vector.broadcast %broadcast_in_dim3A : f32 to vector<16xf32>
    %scan3A = arith.constant 0 : i32
    %scan3A_13 = arith.constant 0 : i32
    %scan3A_14 = arith.constant 632 : i32
    %scan3A_15 = arith.addi %scan3A_13, %scan3A_14 : i32
    %scan3A_16 = arith.constant 1 : i32
    scf.for %scan3A_61 = %scan3A_13 to %scan3A_15 step %scan3A_16  : i32 {
      %swap3A = arith.index_cast %scan3A_61 : i32 to index
      %swap3A_62 = arith.constant 0 : index
      %swap3A_63 = tpu.vector_load %arg14[%swap3A, %swap3A_62] {strides = array<i32>} : memref<632x32xf32, #tpu.memory_space<vmem>>, vector<16xf32>,
      tpu.vector_store %arg14[%swap3A, %swap3A_62], %broadcast_in_dim3A_12 {strides = array<i32>} : memref<632x32xf32, #tpu.memory_space<vmem>>, vector<16xf32>,
      %swap3A_64 = arith.index_cast %scan3A_61 : i32 to index
      %swap3A_65 = arith.constant 16 : index
      %swap3A_66 = tpu.vector_load %arg14[%swap3A_64, %swap3A_65] {strides = array<i32>} : memref<632x32xf32, #tpu.memory_space<vmem>>, vector<16xf32>,
      tpu.vector_store %arg14[%swap3A_64, %swap3A_65], %broadcast_in_dim3A_12 {strides = array<i32>} : memref<632x32xf32, #tpu.memory_space<vmem>>, vector<16xf32>,
    }
    %scan3A_17 = arith.constant 632 : i32
    %lt3A = arith.constant 15 : i32
    %lt3A_18 = arith.cmpi slt, %arg1, %lt3A : i32
    %convert_element_type3A = arith.extui %lt3A_18 : i1 to i32
    %cond3A = arith.constant 0 : i32
    %cond3A_19 = arith.cmpi ne, %convert_element_type3A, %cond3A : i32
    scf.if %cond3A_19 {
      %mul3A_61 = arith.constant 632 : i32
      %mul3A_62 = arith.muli %arg1, %mul3A_61 : i32
      "tpu.region"() ({
        %run_scoped3A = tpu.sem_alloc : memref<!tpu.dma_semaphore, #tpu.memory_space<semaphore_mem>>
        %dma_start3A_63 = arith.constant 0 : i32
        %dma_start3A_64 = tpu.memref_slice %arg15[%mul3A_62, %dma_start3A_63] : memref<10000x32xf32, #tpu.memory_space<vmem_shared>> -> memref<632x32xf32, #tpu.memory_space<vmem_shared>>
        %dma_start3A_65 = arith.constant 0 : i32
        %dma_start3A_66 = tpu.memref_slice %arg15[%mul3A_62, %dma_start3A_65] : memref<10000x32xf32, #tpu.memory_space<vmem_shared>> -> memref<632x32xf32, #tpu.memory_space<vmem_shared>>
        tpu.enqueue_dma source(%arg14 : memref<632x32xf32, #tpu.memory_space<vmem>>) target(%dma_start3A_66 : memref<632x32xf32, #tpu.memory_space<vmem_shared>>) target_semaphore(%run_scoped3A : memref<!tpu.dma_semaphore, #tpu.memory_space<semaphore_mem>>)
        %dma_wait3A_67 = arith.constant 0 : i32
        %dma_wait3A_68 = tpu.memref_slice %arg15[%mul3A_62, %dma_wait3A_67] : memref<10000x32xf32, #tpu.memory_space<vmem_shared>> -> memref<632x32xf32, #tpu.memory_space<vmem_shared>>
        %dma_wait3A_69 = arith.constant 0 : i32
        %dma_wait3A_70 = tpu.memref_slice %arg15[%mul3A_62, %dma_wait3A_69] : memref<10000x32xf32, #tpu.memory_space<vmem_shared>> -> memref<632x32xf32, #tpu.memory_space<vmem_shared>>
        tpu.wait_dma2 semaphore(%run_scoped3A : memref<!tpu.dma_semaphore, #tpu.memory_space<semaphore_mem>>) src(%arg14 : memref<632x32xf32, #tpu.memory_space<vmem>>) dst(%dma_wait3A_70 : memref<632x32xf32, #tpu.memory_space<vmem_shared>>)
        tpu.yield
      }) : () -> ()
    } else {
    }
    %eq3A = arith.constant 15 : i32
    %eq3A_20 = arith.cmpi eq, %arg1, %eq3A : i32
    %convert_element_type3A_21 = arith.extui %eq3A_20 : i1 to i32
    %cond3A_22 = arith.constant 0 : i32
    %cond3A_23 = arith.cmpi ne, %convert_element_type3A_21, %cond3A_22 : i32
    scf.if %cond3A_23 {
      "tpu.region"() ({
        %run_scoped3A = tpu.sem_alloc : memref<!tpu.dma_semaphore, #tpu.memory_space<semaphore_mem>>
        %dma_start3A_61 = arith.constant 0 : i32
        %dma_start3A_62 = arith.constant 0 : i32
        %dma_start3A_63 = tpu.memref_slice %arg14[%dma_start3A_61, %dma_start3A_62] : memref<632x32xf32, #tpu.memory_space<vmem>> -> memref<520x32xf32, #tpu.memory_space<vmem>>
        %dma_start3A_64 = arith.constant 9480 : i32
        %dma_start3A_65 = arith.constant 0 : i32
        %dma_start3A_66 = tpu.memref_slice %arg15[%dma_start3A_64, %dma_start3A_65] : memref<10000x32xf32, #tpu.memory_space<vmem_shared>> -> memref<520x32xf32, #tpu.memory_space<vmem_shared>>
        %dma_start3A_67 = arith.constant 9480 : i32
        %dma_start3A_68 = arith.constant 0 : i32
        %dma_start3A_69 = tpu.memref_slice %arg15[%dma_start3A_67, %dma_start3A_68] : memref<10000x32xf32, #tpu.memory_space<vmem_shared>> -> memref<520x32xf32, #tpu.memory_space<vmem_shared>>
        %dma_start3A_70 = arith.constant 0 : i32
        %dma_start3A_71 = arith.constant 0 : i32
        %dma_start3A_72 = tpu.memref_slice %arg14[%dma_start3A_70, %dma_start3A_71] : memref<632x32xf32, #tpu.memory_space<vmem>> -> memref<520x32xf32, #tpu.memory_space<vmem>>
        tpu.enqueue_dma source(%dma_start3A_72 : memref<520x32xf32, #tpu.memory_space<vmem>>) target(%dma_start3A_69 : memref<520x32xf32, #tpu.memory_space<vmem_shared>>) target_semaphore(%run_scoped3A : memref<!tpu.dma_semaphore, #tpu.memory_space<semaphore_mem>>)
        %dma_wait3A_73 = arith.constant 0 : i32
        %dma_wait3A_74 = arith.constant 0 : i32
        %dma_wait3A_75 = tpu.memref_slice %arg14[%dma_wait3A_73, %dma_wait3A_74] : memref<632x32xf32, #tpu.memory_space<vmem>> -> memref<520x32xf32, #tpu.memory_space<vmem>>
        %dma_wait3A_76 = arith.constant 9480 : i32
        %dma_wait3A_77 = arith.constant 0 : i32
        %dma_wait3A_78 = tpu.memref_slice %arg15[%dma_wait3A_76, %dma_wait3A_77] : memref<10000x32xf32, #tpu.memory_space<vmem_shared>> -> memref<520x32xf32, #tpu.memory_space<vmem_shared>>
        %dma_wait3A_79 = arith.constant 9480 : i32
        %dma_wait3A_80 = arith.constant 0 : i32
        %dma_wait3A_81 = tpu.memref_slice %arg15[%dma_wait3A_79, %dma_wait3A_80] : memref<10000x32xf32, #tpu.memory_space<vmem_shared>> -> memref<520x32xf32, #tpu.memory_space<vmem_shared>>
        %dma_wait3A_82 = arith.constant 0 : i32
        %dma_wait3A_83 = arith.constant 0 : i32
        %dma_wait3A_84 = tpu.memref_slice %arg14[%dma_wait3A_82, %dma_wait3A_83] : memref<632x32xf32, #tpu.memory_space<vmem>> -> memref<520x32xf32, #tpu.memory_space<vmem>>
        tpu.wait_dma2 semaphore(%run_scoped3A : memref<!tpu.dma_semaphore, #tpu.memory_space<semaphore_mem>>) src(%dma_wait3A_84 : memref<520x32xf32, #tpu.memory_space<vmem>>) dst(%dma_wait3A_81 : memref<520x32xf32, #tpu.memory_space<vmem_shared>>)
        tpu.yield
      }) : () -> ()
    } else {
    }
    tpu.wait_dma2 semaphore(%arg16 : memref<!tpu.dma_semaphore, #tpu.memory_space<semaphore_mem>>) src(%arg4 : memref<20000xf32, #tpu.memory_space<hbm>>) dst(%arg7 : memref<20000xf32, #tpu.memory_space<vmem>>)
    tpu.wait_dma2 semaphore(%arg16 : memref<!tpu.dma_semaphore, #tpu.memory_space<semaphore_mem>>) src(%arg5 : memref<16xf32, #tpu.memory_space<hbm>>) dst(%arg8 : memref<16xf32, #tpu.memory_space<vmem>>)
    %dma_wait3A = arith.constant 0 : i32
    %dma_wait3A_24 = tpu.memref_slice %arg3[%dma_wait3A, %mul3A_2] : memref<2x320000xi32, #tpu.memory_space<hbm>> -> memref<1x10000xi32, #tpu.memory_space<hbm>>
    %dma_wait3A_25 = tpu.memref_squeeze %dma_wait3A_24 : memref<1x10000xi32, #tpu.memory_space<hbm>> -> memref<10000xi32, #tpu.memory_space<hbm>>
    %dma_wait3A_26 = tpu.memref_slice %arg3[%dma_wait3A, %mul3A_2] : memref<2x320000xi32, #tpu.memory_space<hbm>> -> memref<1x10000xi32, #tpu.memory_space<hbm>>
    %dma_wait3A_27 = tpu.memref_squeeze %dma_wait3A_26 : memref<1x10000xi32, #tpu.memory_space<hbm>> -> memref<10000xi32, #tpu.memory_space<hbm>>
    tpu.wait_dma2 semaphore(%arg16 : memref<!tpu.dma_semaphore, #tpu.memory_space<semaphore_mem>>) src(%dma_wait3A_27 : memref<10000xi32, #tpu.memory_space<hbm>>) dst(%arg9 : memref<10000xi32, #tpu.memory_space<vmem>>)
    %dma_wait3A_28 = arith.constant 1 : i32
    %dma_wait3A_29 = tpu.memref_slice %arg3[%dma_wait3A_28, %mul3A_2] : memref<2x320000xi32, #tpu.memory_space<hbm>> -> memref<1x10000xi32, #tpu.memory_space<hbm>>
    %dma_wait3A_30 = tpu.memref_squeeze %dma_wait3A_29 : memref<1x10000xi32, #tpu.memory_space<hbm>> -> memref<10000xi32, #tpu.memory_space<hbm>>
    %dma_wait3A_31 = tpu.memref_slice %arg3[%dma_wait3A_28, %mul3A_2] : memref<2x320000xi32, #tpu.memory_space<hbm>> -> memref<1x10000xi32, #tpu.memory_space<hbm>>
    %dma_wait3A_32 = tpu.memref_squeeze %dma_wait3A_31 : memref<1x10000xi32, #tpu.memory_space<hbm>> -> memref<10000xi32, #tpu.memory_space<hbm>>
    tpu.wait_dma2 semaphore(%arg16 : memref<!tpu.dma_semaphore, #tpu.memory_space<semaphore_mem>>) src(%dma_wait3A_32 : memref<10000xi32, #tpu.memory_space<hbm>>) dst(%arg10 : memref<10000xi32, #tpu.memory_space<vmem>>)
    %barrier3A = arith.constant 0 : index
    tpu.barrier barrier_id(%barrier3A)
    %get3A = arith.constant 0 : index
    %get3A_33 = tpu.vector_load %arg8[%get3A] {strides = array<i32>} : memref<16xf32, #tpu.memory_space<vmem>>, vector<16xf32>,
    %dma_start3A_34 = arith.constant 0 : i32
    %dma_start3A_35 = tpu.memref_slice %arg9[%dma_start3A_34] : memref<10000xi32, #tpu.memory_space<vmem>> -> memref<80xi32, #tpu.memory_space<vmem>>
    %dma_start3A_36 = arith.constant 0 : i32
    %dma_start3A_37 = arith.constant 0 : i32
    %dma_start3A_38 = tpu.memref_slice %arg2[%dma_start3A_36, %dma_start3A_37] : memref<10000x32xf32, #tpu.memory_space<hbm>> -> memref<10000x32xf32, #tpu.memory_space<hbm>>
    tpu.enqueue_indirect_dma source(%dma_start3A_38 : memref<10000x32xf32, #tpu.memory_space<hbm>>) target(%arg11 : memref<80x32xf32, #tpu.memory_space<vmem>>) offsets(%dma_start3A_35 : memref<80xi32, #tpu.memory_space<vmem>>) semaphore(%arg17 : memref<!tpu.dma_semaphore, #tpu.memory_space<semaphore_mem>>)
    %scan3A_39 = arith.constant 0 : i32
    %scan3A_40 = arith.constant 0 : i32
    %scan3A_41 = arith.constant 125 : i32
    %scan3A_42 = arith.addi %scan3A_40, %scan3A_41 : i32
    %scan3A_43 = arith.constant 1 : i32
    scf.for %scan3A_61 = %scan3A_40 to %scan3A_42 step %scan3A_43  : i32 {
      %rem3A = arith.constant 2 : i32
      %rem3A_62 = arith.remsi %scan3A_61, %rem3A : i32
      %eq3A_63 = arith.constant 0 : i32
      %eq3A_64 = arith.cmpi eq, %rem3A_62, %eq3A_63 : i32
      %convert_element_type3A_65 = arith.extui %eq3A_64 : i1 to i32
      %cond3A_66 = arith.constant 0 : i32
      %cond3A_67 = arith.cmpi ne, %convert_element_type3A_65, %cond3A_66 : i32
      scf.if %cond3A_67 {
        %mul3A_75 = arith.constant 80 : i32
        %mul3A_76 = arith.muli %scan3A_61, %mul3A_75 : i32
        %dma_wait3A_77 = tpu.memref_slice %arg9[%mul3A_76] : memref<10000xi32, #tpu.memory_space<vmem>> -> memref<80xi32, #tpu.memory_space<vmem>>
        %dma_wait3A_78 = arith.constant 0 : i32
        %dma_wait3A_79 = arith.constant 0 : i32
        %dma_wait3A_80 = tpu.memref_slice %arg2[%dma_wait3A_78, %dma_wait3A_79] : memref<10000x32xf32, #tpu.memory_space<hbm>> -> memref<10000x32xf32, #tpu.memory_space<hbm>>
        tpu.wait_indirect_dma semaphore(%arg17 : memref<!tpu.dma_semaphore, #tpu.memory_space<semaphore_mem>>) src(%dma_wait3A_80 : memref<10000x32xf32, #tpu.memory_space<hbm>>) dst(%arg11 : memref<80x32xf32, #tpu.memory_space<vmem>>)
        %ge3A = arith.constant 1 : i32
        %ge3A_81 = arith.cmpi sge, %scan3A_61, %ge3A : i32
        %convert_element_type3A_82 = arith.extui %ge3A_81 : i1 to i32
        %cond3A_83 = arith.constant 0 : i32
        %cond3A_84 = arith.cmpi ne, %convert_element_type3A_82, %cond3A_83 : i32
        scf.if %cond3A_84 {
          %sub3A = arith.constant 1 : i32
          %sub3A_103 = arith.subi %scan3A_61, %sub3A : i32
          %mul3A_104 = arith.constant 80 : i32
          %mul3A_105 = arith.muli %sub3A_103, %mul3A_104 : i32
          %dma_wait3A_106 = tpu.memref_slice %arg10[%mul3A_105] : memref<10000xi32, #tpu.memory_space<vmem>> -> memref<80xi32, #tpu.memory_space<vmem>>
          %dma_wait3A_107 = arith.constant 0 : i32
          %dma_wait3A_108 = arith.constant 0 : i32
          %dma_wait3A_109 = tpu.memref_slice %arg15[%dma_wait3A_107, %dma_wait3A_108] : memref<10000x32xf32, #tpu.memory_space<vmem_shared>> -> memref<10000x32xf32, #tpu.memory_space<vmem_shared>>
          tpu.wait_indirect_dma semaphore(%arg20 : memref<!tpu.dma_semaphore, #tpu.memory_space<semaphore_mem>>) src(%arg12 : memref<80x32xf32, #tpu.memory_space<vmem>>) dst(%dma_wait3A_109 : memref<10000x32xf32, #tpu.memory_space<vmem_shared>>)
        } else {
        }
        %add3A_85 = arith.constant 1 : i32
        %add3A_86 = arith.addi %scan3A_61, %add3A_85 : i32
        %lt3A_87 = arith.constant 125 : i32
        %lt3A_88 = arith.cmpi slt, %add3A_86, %lt3A_87 : i32
        %convert_element_type3A_89 = arith.extui %lt3A_88 : i1 to i32
        %cond3A_90 = arith.constant 0 : i32
        %cond3A_91 = arith.cmpi ne, %convert_element_type3A_89, %cond3A_90 : i32
        scf.if %cond3A_91 {
          %add3A_103 = arith.constant 1 : i32
          %add3A_104 = arith.addi %scan3A_61, %add3A_103 : i32
          %mul3A_105 = arith.constant 80 : i32
          %mul3A_106 = arith.muli %add3A_104, %mul3A_105 : i32
          %dma_start3A_107 = tpu.memref_slice %arg9[%mul3A_106] : memref<10000xi32, #tpu.memory_space<vmem>> -> memref<80xi32, #tpu.memory_space<vmem>>
          %dma_start3A_108 = arith.constant 0 : i32
          %dma_start3A_109 = arith.constant 0 : i32
          %dma_start3A_110 = tpu.memref_slice %arg2[%dma_start3A_108, %dma_start3A_109] : memref<10000x32xf32, #tpu.memory_space<hbm>> -> memref<10000x32xf32, #tpu.memory_space<hbm>>
          tpu.enqueue_indirect_dma source(%dma_start3A_110 : memref<10000x32xf32, #tpu.memory_space<hbm>>) target(%arg12 : memref<80x32xf32, #tpu.memory_space<vmem>>) offsets(%dma_start3A_107 : memref<80xi32, #tpu.memory_space<vmem>>) semaphore(%arg18 : memref<!tpu.dma_semaphore, #tpu.memory_space<semaphore_mem>>)
        } else {
        }
        %parallel_loop3A = arith.constant 0 : i32
        %parallel_loop3A_92 = arith.constant 80 : i32
        %parallel_loop3A_93 = arith.constant 16 : i32
        scf.for %parallel_loop3A_103 = %parallel_loop3A to %parallel_loop3A_92 step %parallel_loop3A_93  : i32 {
          %parallel_loop3A_104 = arith.constant 80 : i32
          %parallel_loop3A_105 = arith.muli %scan3A_61, %parallel_loop3A_104 : i32
          %parallel_loop3A_106 = arith.addi %parallel_loop3A_105, %parallel_loop3A_103 : i32
          %parallel_loop3A_107 = arith.index_cast %parallel_loop3A_106 : i32 to index
          %parallel_loop3A_108 = tpu.vector_load %arg9[%parallel_loop3A_107] {strides = array<i32>} : memref<10000xi32, #tpu.memory_space<vmem>>, vector<16xi32>,
          %parallel_loop3A_109 = arith.constant 80 : i32
          %parallel_loop3A_110 = arith.muli %scan3A_61, %parallel_loop3A_109 : i32
          %parallel_loop3A_111 = arith.addi %parallel_loop3A_110, %parallel_loop3A_103 : i32
          %parallel_loop3A_112 = arith.index_cast %parallel_loop3A_111 : i32 to index
          %parallel_loop3A_113 = tpu.vector_load %arg10[%parallel_loop3A_112] {strides = array<i32>} : memref<10000xi32, #tpu.memory_space<vmem>>, vector<16xi32>,
          %parallel_loop3A_114 = arith.constant 2 : i32
          %parallel_loop3A_115 = vector.broadcast %parallel_loop3A_114 : i32 to vector<16xi32>
          %parallel_loop3A_116 = arith.muli %parallel_loop3A_108, %parallel_loop3A_115 : vector<16xi32>
          %parallel_loop3A_117 = tpu.vector_load_idx %arg7[%parallel_loop3A_116] : memref<20000xf32, #tpu.memory_space<vmem>>[vector<16xi32>], vector<16xf32>,
          %parallel_loop3A_118 = arith.constant 2 : i32
          %parallel_loop3A_119 = vector.broadcast %parallel_loop3A_118 : i32 to vector<16xi32>
          %parallel_loop3A_120 = arith.muli %parallel_loop3A_113, %parallel_loop3A_119 : vector<16xi32>
          %parallel_loop3A_121 = arith.constant 1 : i32
          %parallel_loop3A_122 = vector.broadcast %parallel_loop3A_121 : i32 to vector<16xi32>
          %parallel_loop3A_123 = arith.addi %parallel_loop3A_120, %parallel_loop3A_122 : vector<16xi32>
          %parallel_loop3A_124 = tpu.vector_load_idx %arg7[%parallel_loop3A_123] : memref<20000xf32, #tpu.memory_space<vmem>>[vector<16xi32>], vector<16xf32>,
          %parallel_loop3A_125 = arith.addf %parallel_loop3A_117, %parallel_loop3A_124 : vector<16xf32>
          %parallel_loop3A_126 = arith.constant 0.000000e+00 : f32
          %parallel_loop3A_127 = vector.broadcast %parallel_loop3A_126 : f32 to vector<16xf32>
          %parallel_loop3A_128 = arith.cmpf oge, %parallel_loop3A_125, %parallel_loop3A_127 : vector<16xf32>
          %parallel_loop3A_129 = arith.constant 2.000000e-01 : f32
          %parallel_loop3A_130 = vector.broadcast %parallel_loop3A_129 : f32 to vector<16xf32>
          %parallel_loop3A_131 = arith.mulf %parallel_loop3A_130, %parallel_loop3A_125 : vector<16xf32>
          %parallel_loop3A_132 = arith.select %parallel_loop3A_128, %parallel_loop3A_125, %parallel_loop3A_131 : vector<16xi1>, vector<16xf32>
          %parallel_loop3A_133 = arith.subf %parallel_loop3A_132, %get3A_33 : vector<16xf32>
          %parallel_loop3A_134 = math.exp %parallel_loop3A_133 : vector<16xf32>
          %parallel_loop3A_135 = arith.index_cast %parallel_loop3A_103 : i32 to index
          %parallel_loop3A_136 = tpu.vector_load %arg13[%parallel_loop3A_135] {strides = array<i32>} : memref<80xf32, #tpu.memory_space<vmem>>, vector<16xf32>,
          tpu.vector_store %arg13[%parallel_loop3A_135], %parallel_loop3A_134 {strides = array<i32>} : memref<80xf32, #tpu.memory_space<vmem>>, vector<16xf32>,
        } {sc.loop_unroll_factor = 2 : i64, sc.parallel_access}
        %parallel_loop3A_94 = arith.constant 0 : i32
        %parallel_loop3A_95 = arith.constant 80 : i32
        %parallel_loop3A_96 = arith.constant 1 : i32
        scf.for %parallel_loop3A_103 = %parallel_loop3A_94 to %parallel_loop3A_95 step %parallel_loop3A_96  : i32 {
          %parallel_loop3A_104 = vector.broadcast %parallel_loop3A_103 : i32 to vector<16xi32>
          %parallel_loop3A_105 = tpu.vector_load_idx %arg13[%parallel_loop3A_104] : memref<80xf32, #tpu.memory_space<vmem>>[vector<16xi32>], vector<16xf32>,
          %parallel_loop3A_106 = arith.index_cast %parallel_loop3A_103 : i32 to index
          %parallel_loop3A_107 = arith.constant 0 : index
          %parallel_loop3A_108 = tpu.vector_load %arg11[%parallel_loop3A_106, %parallel_loop3A_107] {strides = array<i32>} : memref<80x32xf32, #tpu.memory_space<vmem>>, vector<16xf32>,
          %parallel_loop3A_109 = arith.mulf %parallel_loop3A_108, %parallel_loop3A_105 : vector<16xf32>
          %parallel_loop3A_110 = arith.index_cast %parallel_loop3A_103 : i32 to index
          %parallel_loop3A_111 = arith.constant 0 : index
          %parallel_loop3A_112 = tpu.vector_load %arg11[%parallel_loop3A_110, %parallel_loop3A_111] {strides = array<i32>} : memref<80x32xf32, #tpu.memory_space<vmem>>, vector<16xf32>,
          tpu.vector_store %arg11[%parallel_loop3A_110, %parallel_loop3A_111], %parallel_loop3A_109 {strides = array<i32>} : memref<80x32xf32, #tpu.memory_space<vmem>>, vector<16xf32>,
          %parallel_loop3A_113 = arith.index_cast %parallel_loop3A_103 : i32 to index
          %parallel_loop3A_114 = arith.constant 16 : index
          %parallel_loop3A_115 = tpu.vector_load %arg11[%parallel_loop3A_113, %parallel_loop3A_114] {strides = array<i32>} : memref<80x32xf32, #tpu.memory_space<vmem>>, vector<16xf32>,
          %parallel_loop3A_116 = arith.mulf %parallel_loop3A_115, %parallel_loop3A_105 : vector<16xf32>
          %parallel_loop3A_117 = arith.index_cast %parallel_loop3A_103 : i32 to index
          %parallel_loop3A_118 = arith.constant 16 : index
          %parallel_loop3A_119 = tpu.vector_load %arg11[%parallel_loop3A_117, %parallel_loop3A_118] {strides = array<i32>} : memref<80x32xf32, #tpu.memory_space<vmem>>, vector<16xf32>,
          tpu.vector_store %arg11[%parallel_loop3A_117, %parallel_loop3A_118], %parallel_loop3A_116 {strides = array<i32>} : memref<80x32xf32, #tpu.memory_space<vmem>>, vector<16xf32>,
        } {sc.loop_unroll_factor = 8 : i64, sc.parallel_access}
        %mul3A_97 = arith.constant 80 : i32
        %mul3A_98 = arith.muli %scan3A_61, %mul3A_97 : i32
        %dma_start3A_99 = tpu.memref_slice %arg10[%mul3A_98] : memref<10000xi32, #tpu.memory_space<vmem>> -> memref<80xi32, #tpu.memory_space<vmem>>
        %dma_start3A_100 = arith.constant 0 : i32
        %dma_start3A_101 = arith.constant 0 : i32
        %dma_start3A_102 = tpu.memref_slice %arg15[%dma_start3A_100, %dma_start3A_101] : memref<10000x32xf32, #tpu.memory_space<vmem_shared>> -> memref<10000x32xf32, #tpu.memory_space<vmem_shared>>
        tpu.enqueue_indirect_dma source(%arg11 : memref<80x32xf32, #tpu.memory_space<vmem>>) target(%dma_start3A_102 : memref<10000x32xf32, #tpu.memory_space<vmem_shared>>) offsets(%dma_start3A_99 : memref<80xi32, #tpu.memory_space<vmem>>) semaphore(%arg19 : memref<!tpu.dma_semaphore, #tpu.memory_space<semaphore_mem>>) {add = true}
      } else {
      }
      %rem3A_68 = arith.constant 2 : i32
      %rem3A_69 = arith.remsi %scan3A_61, %rem3A_68 : i32
      %eq3A_70 = arith.constant 1 : i32
      %eq3A_71 = arith.cmpi eq, %rem3A_69, %eq3A_70 : i32
      %convert_element_type3A_72 = arith.extui %eq3A_71 : i1 to i32
      %cond3A_73 = arith.constant 0 : i32
      %cond3A_74 = arith.cmpi ne, %convert_element_type3A_72, %cond3A_73 : i32
      scf.if %cond3A_74 {
        %mul3A_75 = arith.constant 80 : i32
        %mul3A_76 = arith.muli %scan3A_61, %mul3A_75 : i32
        %dma_wait3A_77 = tpu.memref_slice %arg9[%mul3A_76] : memref<10000xi32, #tpu.memory_space<vmem>> -> memref<80xi32, #tpu.memory_space<vmem>>
        %dma_wait3A_78 = arith.constant 0 : i32
        %dma_wait3A_79 = arith.constant 0 : i32
        %dma_wait3A_80 = tpu.memref_slice %arg2[%dma_wait3A_78, %dma_wait3A_79] : memref<10000x32xf32, #tpu.memory_space<hbm>> -> memref<10000x32xf32, #tpu.memory_space<hbm>>
        tpu.wait_indirect_dma semaphore(%arg18 : memref<!tpu.dma_semaphore, #tpu.memory_space<semaphore_mem>>) src(%dma_wait3A_80 : memref<10000x32xf32, #tpu.memory_space<hbm>>) dst(%arg12 : memref<80x32xf32, #tpu.memory_space<vmem>>)
        %ge3A = arith.constant 1 : i32
        %ge3A_81 = arith.cmpi sge, %scan3A_61, %ge3A : i32
        %convert_element_type3A_82 = arith.extui %ge3A_81 : i1 to i32
        %cond3A_83 = arith.constant 0 : i32
        %cond3A_84 = arith.cmpi ne, %convert_element_type3A_82, %cond3A_83 : i32
        scf.if %cond3A_84 {
          %sub3A = arith.constant 1 : i32
          %sub3A_103 = arith.subi %scan3A_61, %sub3A : i32
          %mul3A_104 = arith.constant 80 : i32
          %mul3A_105 = arith.muli %sub3A_103, %mul3A_104 : i32
          %dma_wait3A_106 = tpu.memref_slice %arg10[%mul3A_105] : memref<10000xi32, #tpu.memory_space<vmem>> -> memref<80xi32, #tpu.memory_space<vmem>>
          %dma_wait3A_107 = arith.constant 0 : i32
          %dma_wait3A_108 = arith.constant 0 : i32
          %dma_wait3A_109 = tpu.memref_slice %arg15[%dma_wait3A_107, %dma_wait3A_108] : memref<10000x32xf32, #tpu.memory_space<vmem_shared>> -> memref<10000x32xf32, #tpu.memory_space<vmem_shared>>
          tpu.wait_indirect_dma semaphore(%arg19 : memref<!tpu.dma_semaphore, #tpu.memory_space<semaphore_mem>>) src(%arg11 : memref<80x32xf32, #tpu.memory_space<vmem>>) dst(%dma_wait3A_109 : memref<10000x32xf32, #tpu.memory_space<vmem_shared>>)
        } else {
        }
        %add3A_85 = arith.constant 1 : i32
        %add3A_86 = arith.addi %scan3A_61, %add3A_85 : i32
        %lt3A_87 = arith.constant 125 : i32
        %lt3A_88 = arith.cmpi slt, %add3A_86, %lt3A_87 : i32
        %convert_element_type3A_89 = arith.extui %lt3A_88 : i1 to i32
        %cond3A_90 = arith.constant 0 : i32
        %cond3A_91 = arith.cmpi ne, %convert_element_type3A_89, %cond3A_90 : i32
        scf.if %cond3A_91 {
          %add3A_103 = arith.constant 1 : i32
          %add3A_104 = arith.addi %scan3A_61, %add3A_103 : i32
          %mul3A_105 = arith.constant 80 : i32
          %mul3A_106 = arith.muli %add3A_104, %mul3A_105 : i32
          %dma_start3A_107 = tpu.memref_slice %arg9[%mul3A_106] : memref<10000xi32, #tpu.memory_space<vmem>> -> memref<80xi32, #tpu.memory_space<vmem>>
          %dma_start3A_108 = arith.constant 0 : i32
          %dma_start3A_109 = arith.constant 0 : i32
          %dma_start3A_110 = tpu.memref_slice %arg2[%dma_start3A_108, %dma_start3A_109] : memref<10000x32xf32, #tpu.memory_space<hbm>> -> memref<10000x32xf32, #tpu.memory_space<hbm>>
          tpu.enqueue_indirect_dma source(%dma_start3A_110 : memref<10000x32xf32, #tpu.memory_space<hbm>>) target(%arg11 : memref<80x32xf32, #tpu.memory_space<vmem>>) offsets(%dma_start3A_107 : memref<80xi32, #tpu.memory_space<vmem>>) semaphore(%arg17 : memref<!tpu.dma_semaphore, #tpu.memory_space<semaphore_mem>>)
        } else {
        }
        %parallel_loop3A = arith.constant 0 : i32
        %parallel_loop3A_92 = arith.constant 80 : i32
        %parallel_loop3A_93 = arith.constant 16 : i32
        scf.for %parallel_loop3A_103 = %parallel_loop3A to %parallel_loop3A_92 step %parallel_loop3A_93  : i32 {
          %parallel_loop3A_104 = arith.constant 80 : i32
          %parallel_loop3A_105 = arith.muli %scan3A_61, %parallel_loop3A_104 : i32
          %parallel_loop3A_106 = arith.addi %parallel_loop3A_105, %parallel_loop3A_103 : i32
          %parallel_loop3A_107 = arith.index_cast %parallel_loop3A_106 : i32 to index
          %parallel_loop3A_108 = tpu.vector_load %arg9[%parallel_loop3A_107] {strides = array<i32>} : memref<10000xi32, #tpu.memory_space<vmem>>, vector<16xi32>,
          %parallel_loop3A_109 = arith.constant 80 : i32
          %parallel_loop3A_110 = arith.muli %scan3A_61, %parallel_loop3A_109 : i32
          %parallel_loop3A_111 = arith.addi %parallel_loop3A_110, %parallel_loop3A_103 : i32
          %parallel_loop3A_112 = arith.index_cast %parallel_loop3A_111 : i32 to index
          %parallel_loop3A_113 = tpu.vector_load %arg10[%parallel_loop3A_112] {strides = array<i32>} : memref<10000xi32, #tpu.memory_space<vmem>>, vector<16xi32>,
          %parallel_loop3A_114 = arith.constant 2 : i32
          %parallel_loop3A_115 = vector.broadcast %parallel_loop3A_114 : i32 to vector<16xi32>
          %parallel_loop3A_116 = arith.muli %parallel_loop3A_108, %parallel_loop3A_115 : vector<16xi32>
          %parallel_loop3A_117 = tpu.vector_load_idx %arg7[%parallel_loop3A_116] : memref<20000xf32, #tpu.memory_space<vmem>>[vector<16xi32>], vector<16xf32>,
          %parallel_loop3A_118 = arith.constant 2 : i32
          %parallel_loop3A_119 = vector.broadcast %parallel_loop3A_118 : i32 to vector<16xi32>
          %parallel_loop3A_120 = arith.muli %parallel_loop3A_113, %parallel_loop3A_119 : vector<16xi32>
          %parallel_loop3A_121 = arith.constant 1 : i32
          %parallel_loop3A_122 = vector.broadcast %parallel_loop3A_121 : i32 to vector<16xi32>
          %parallel_loop3A_123 = arith.addi %parallel_loop3A_120, %parallel_loop3A_122 : vector<16xi32>
          %parallel_loop3A_124 = tpu.vector_load_idx %arg7[%parallel_loop3A_123] : memref<20000xf32, #tpu.memory_space<vmem>>[vector<16xi32>], vector<16xf32>,
          %parallel_loop3A_125 = arith.addf %parallel_loop3A_117, %parallel_loop3A_124 : vector<16xf32>
          %parallel_loop3A_126 = arith.constant 0.000000e+00 : f32
          %parallel_loop3A_127 = vector.broadcast %parallel_loop3A_126 : f32 to vector<16xf32>
          %parallel_loop3A_128 = arith.cmpf oge, %parallel_loop3A_125, %parallel_loop3A_127 : vector<16xf32>
          %parallel_loop3A_129 = arith.constant 2.000000e-01 : f32
          %parallel_loop3A_130 = vector.broadcast %parallel_loop3A_129 : f32 to vector<16xf32>
          %parallel_loop3A_131 = arith.mulf %parallel_loop3A_130, %parallel_loop3A_125 : vector<16xf32>
          %parallel_loop3A_132 = arith.select %parallel_loop3A_128, %parallel_loop3A_125, %parallel_loop3A_131 : vector<16xi1>, vector<16xf32>
          %parallel_loop3A_133 = arith.subf %parallel_loop3A_132, %get3A_33 : vector<16xf32>
          %parallel_loop3A_134 = math.exp %parallel_loop3A_133 : vector<16xf32>
          %parallel_loop3A_135 = arith.index_cast %parallel_loop3A_103 : i32 to index
          %parallel_loop3A_136 = tpu.vector_load %arg13[%parallel_loop3A_135] {strides = array<i32>} : memref<80xf32, #tpu.memory_space<vmem>>, vector<16xf32>,
          tpu.vector_store %arg13[%parallel_loop3A_135], %parallel_loop3A_134 {strides = array<i32>} : memref<80xf32, #tpu.memory_space<vmem>>, vector<16xf32>,
        } {sc.loop_unroll_factor = 2 : i64, sc.parallel_access}
        %parallel_loop3A_94 = arith.constant 0 : i32
        %parallel_loop3A_95 = arith.constant 80 : i32
        %parallel_loop3A_96 = arith.constant 1 : i32
        scf.for %parallel_loop3A_103 = %parallel_loop3A_94 to %parallel_loop3A_95 step %parallel_loop3A_96  : i32 {
          %parallel_loop3A_104 = vector.broadcast %parallel_loop3A_103 : i32 to vector<16xi32>
          %parallel_loop3A_105 = tpu.vector_load_idx %arg13[%parallel_loop3A_104] : memref<80xf32, #tpu.memory_space<vmem>>[vector<16xi32>], vector<16xf32>,
          %parallel_loop3A_106 = arith.index_cast %parallel_loop3A_103 : i32 to index
          %parallel_loop3A_107 = arith.constant 0 : index
          %parallel_loop3A_108 = tpu.vector_load %arg12[%parallel_loop3A_106, %parallel_loop3A_107] {strides = array<i32>} : memref<80x32xf32, #tpu.memory_space<vmem>>, vector<16xf32>,
          %parallel_loop3A_109 = arith.mulf %parallel_loop3A_108, %parallel_loop3A_105 : vector<16xf32>
          %parallel_loop3A_110 = arith.index_cast %parallel_loop3A_103 : i32 to index
          %parallel_loop3A_111 = arith.constant 0 : index
          %parallel_loop3A_112 = tpu.vector_load %arg12[%parallel_loop3A_110, %parallel_loop3A_111] {strides = array<i32>} : memref<80x32xf32, #tpu.memory_space<vmem>>, vector<16xf32>,
          tpu.vector_store %arg12[%parallel_loop3A_110, %parallel_loop3A_111], %parallel_loop3A_109 {strides = array<i32>} : memref<80x32xf32, #tpu.memory_space<vmem>>, vector<16xf32>,
          %parallel_loop3A_113 = arith.index_cast %parallel_loop3A_103 : i32 to index
          %parallel_loop3A_114 = arith.constant 16 : index
          %parallel_loop3A_115 = tpu.vector_load %arg12[%parallel_loop3A_113, %parallel_loop3A_114] {strides = array<i32>} : memref<80x32xf32, #tpu.memory_space<vmem>>, vector<16xf32>,
          %parallel_loop3A_116 = arith.mulf %parallel_loop3A_115, %parallel_loop3A_105 : vector<16xf32>
          %parallel_loop3A_117 = arith.index_cast %parallel_loop3A_103 : i32 to index
          %parallel_loop3A_118 = arith.constant 16 : index
          %parallel_loop3A_119 = tpu.vector_load %arg12[%parallel_loop3A_117, %parallel_loop3A_118] {strides = array<i32>} : memref<80x32xf32, #tpu.memory_space<vmem>>, vector<16xf32>,
          tpu.vector_store %arg12[%parallel_loop3A_117, %parallel_loop3A_118], %parallel_loop3A_116 {strides = array<i32>} : memref<80x32xf32, #tpu.memory_space<vmem>>, vector<16xf32>,
        } {sc.loop_unroll_factor = 8 : i64, sc.parallel_access}
        %mul3A_97 = arith.constant 80 : i32
        %mul3A_98 = arith.muli %scan3A_61, %mul3A_97 : i32
        %dma_start3A_99 = tpu.memref_slice %arg10[%mul3A_98] : memref<10000xi32, #tpu.memory_space<vmem>> -> memref<80xi32, #tpu.memory_space<vmem>>
        %dma_start3A_100 = arith.constant 0 : i32
        %dma_start3A_101 = arith.constant 0 : i32
        %dma_start3A_102 = tpu.memref_slice %arg15[%dma_start3A_100, %dma_start3A_101] : memref<10000x32xf32, #tpu.memory_space<vmem_shared>> -> memref<10000x32xf32, #tpu.memory_space<vmem_shared>>
        tpu.enqueue_indirect_dma source(%arg12 : memref<80x32xf32, #tpu.memory_space<vmem>>) target(%dma_start3A_102 : memref<10000x32xf32, #tpu.memory_space<vmem_shared>>) offsets(%dma_start3A_99 : memref<80xi32, #tpu.memory_space<vmem>>) semaphore(%arg20 : memref<!tpu.dma_semaphore, #tpu.memory_space<semaphore_mem>>) {add = true}
      } else {
      }
    }
    %scan3A_44 = arith.constant 125 : i32
    %dma_wait3A_45 = arith.constant 9920 : i32
    %dma_wait3A_46 = tpu.memref_slice %arg10[%dma_wait3A_45] : memref<10000xi32, #tpu.memory_space<vmem>> -> memref<80xi32, #tpu.memory_space<vmem>>
    %dma_wait3A_47 = arith.constant 0 : i32
    %dma_wait3A_48 = arith.constant 0 : i32
    %dma_wait3A_49 = tpu.memref_slice %arg15[%dma_wait3A_47, %dma_wait3A_48] : memref<10000x32xf32, #tpu.memory_space<vmem_shared>> -> memref<10000x32xf32, #tpu.memory_space<vmem_shared>>
    tpu.wait_indirect_dma semaphore(%arg19 : memref<!tpu.dma_semaphore, #tpu.memory_space<semaphore_mem>>) src(%arg11 : memref<80x32xf32, #tpu.memory_space<vmem>>) dst(%dma_wait3A_49 : memref<10000x32xf32, #tpu.memory_space<vmem_shared>>)
    %barrier3A_50 = arith.constant 0 : index
    tpu.barrier barrier_id(%barrier3A_50)
    %lt3A_51 = arith.constant 15 : i32
    %lt3A_52 = arith.cmpi slt, %arg1, %lt3A_51 : i32
    %convert_element_type3A_53 = arith.extui %lt3A_52 : i1 to i32
    %cond3A_54 = arith.constant 0 : i32
    %cond3A_55 = arith.cmpi ne, %convert_element_type3A_53, %cond3A_54 : i32
    scf.if %cond3A_55 {
      %mul3A_61 = arith.constant 632 : i32
      %mul3A_62 = arith.muli %arg1, %mul3A_61 : i32
      %mul3A_63 = arith.constant 632 : i32
      %mul3A_64 = arith.muli %arg1, %mul3A_63 : i32
      "tpu.region"() ({
        %run_scoped3A = tpu.sem_alloc : memref<!tpu.dma_semaphore, #tpu.memory_space<semaphore_mem>>
        %dma_start3A_65 = arith.constant 0 : i32
        %dma_start3A_66 = tpu.memref_slice %arg6[%arg0, %mul3A_64, %dma_start3A_65] : memref<2x10000x32xf32, #tpu.memory_space<hbm>> -> memref<1x632x32xf32, #tpu.memory_space<hbm>>
        %dma_start3A_67 = tpu.memref_squeeze %dma_start3A_66 : memref<1x632x32xf32, #tpu.memory_space<hbm>> -> memref<632x32xf32, #tpu.memory_space<hbm>>
        %dma_start3A_68 = arith.constant 0 : i32
        %dma_start3A_69 = tpu.memref_slice %arg15[%mul3A_62, %dma_start3A_68] : memref<10000x32xf32, #tpu.memory_space<vmem_shared>> -> memref<632x32xf32, #tpu.memory_space<vmem_shared>>
        tpu.enqueue_dma source(%dma_start3A_69 : memref<632x32xf32, #tpu.memory_space<vmem_shared>>) target(%dma_start3A_67 : memref<632x32xf32, #tpu.memory_space<hbm>>) target_semaphore(%run_scoped3A : memref<!tpu.dma_semaphore, #tpu.memory_space<semaphore_mem>>)
        %dma_wait3A_70 = arith.constant 0 : i32
        %dma_wait3A_71 = tpu.memref_slice %arg6[%arg0, %mul3A_64, %dma_wait3A_70] : memref<2x10000x32xf32, #tpu.memory_space<hbm>> -> memref<1x632x32xf32, #tpu.memory_space<hbm>>
        %dma_wait3A_72 = tpu.memref_squeeze %dma_wait3A_71 : memref<1x632x32xf32, #tpu.memory_space<hbm>> -> memref<632x32xf32, #tpu.memory_space<hbm>>
        %dma_wait3A_73 = arith.constant 0 : i32
        %dma_wait3A_74 = tpu.memref_slice %arg15[%mul3A_62, %dma_wait3A_73] : memref<10000x32xf32, #tpu.memory_space<vmem_shared>> -> memref<632x32xf32, #tpu.memory_space<vmem_shared>>
        tpu.wait_dma2 semaphore(%run_scoped3A : memref<!tpu.dma_semaphore, #tpu.memory_space<semaphore_mem>>) src(%dma_wait3A_74 : memref<632x32xf32, #tpu.memory_space<vmem_shared>>) dst(%dma_wait3A_72 : memref<632x32xf32, #tpu.memory_space<hbm>>)
        tpu.yield
      }) : () -> ()
    } else {
    }
    %eq3A_56 = arith.constant 15 : i32
    %eq3A_57 = arith.cmpi eq, %arg1, %eq3A_56 : i32
    %convert_element_type3A_58 = arith.extui %eq3A_57 : i1 to i32
    %cond3A_59 = arith.constant 0 : i32
    %cond3A_60 = arith.cmpi ne, %convert_element_type3A_58, %cond3A_59 : i32
    scf.if %cond3A_60 {
      "tpu.region"() ({
        %run_scoped3A = tpu.sem_alloc : memref<!tpu.dma_semaphore, #tpu.memory_space<semaphore_mem>>
        %dma_start3A_61 = arith.constant 9480 : i32
        %dma_start3A_62 = arith.constant 0 : i32
        %dma_start3A_63 = tpu.memref_slice %arg6[%arg0, %dma_start3A_61, %dma_start3A_62] : memref<2x10000x32xf32, #tpu.memory_space<hbm>> -> memref<1x520x32xf32, #tpu.memory_space<hbm>>
        %dma_start3A_64 = tpu.memref_squeeze %dma_start3A_63 : memref<1x520x32xf32, #tpu.memory_space<hbm>> -> memref<520x32xf32, #tpu.memory_space<hbm>>
        %dma_start3A_65 = arith.constant 9480 : i32
        %dma_start3A_66 = arith.constant 0 : i32
        %dma_start3A_67 = tpu.memref_slice %arg15[%dma_start3A_65, %dma_start3A_66] : memref<10000x32xf32, #tpu.memory_space<vmem_shared>> -> memref<520x32xf32, #tpu.memory_space<vmem_shared>>
        tpu.enqueue_dma source(%dma_start3A_67 : memref<520x32xf32, #tpu.memory_space<vmem_shared>>) target(%dma_start3A_64 : memref<520x32xf32, #tpu.memory_space<hbm>>) target_semaphore(%run_scoped3A : memref<!tpu.dma_semaphore, #tpu.memory_space<semaphore_mem>>)
        %dma_wait3A_68 = arith.constant 9480 : i32
        %dma_wait3A_69 = arith.constant 0 : i32
        %dma_wait3A_70 = tpu.memref_slice %arg6[%arg0, %dma_wait3A_68, %dma_wait3A_69] : memref<2x10000x32xf32, #tpu.memory_space<hbm>> -> memref<1x520x32xf32, #tpu.memory_space<hbm>>
        %dma_wait3A_71 = tpu.memref_squeeze %dma_wait3A_70 : memref<1x520x32xf32, #tpu.memory_space<hbm>> -> memref<520x32xf32, #tpu.memory_space<hbm>>
        %dma_wait3A_72 = arith.constant 9480 : i32
        %dma_wait3A_73 = arith.constant 0 : i32
        %dma_wait3A_74 = tpu.memref_slice %arg15[%dma_wait3A_72, %dma_wait3A_73] : memref<10000x32xf32, #tpu.memory_space<vmem_shared>> -> memref<520x32xf32, #tpu.memory_space<vmem_shared>>
        tpu.wait_dma2 semaphore(%run_scoped3A : memref<!tpu.dma_semaphore, #tpu.memory_space<semaphore_mem>>) src(%dma_wait3A_74 : memref<520x32xf32, #tpu.memory_space<vmem_shared>>) dst(%dma_wait3A_71 : memref<520x32xf32, #tpu.memory_space<hbm>>)
        tpu.yield
      }) : () -> ()
    } else {
    }
    return
  }
}

module attributes {stable_mosaic.version = 14 : i64} {
  func.func @_prep_body(%arg0: memref<10000x128xf32, #tpu.memory_space<vmem>>, %arg1: memref<128x32xf32, #tpu.memory_space<vmem>>, %arg2: memref<32x2xf32, #tpu.memory_space<vmem>>, %arg3: memref<10000x32xf32, #tpu.memory_space<vmem>>, %arg4: memref<10000x2xf32, #tpu.memory_space<vmem>>, %arg5: memref<1x128xf32, #tpu.memory_space<vmem>>) attributes {dimension_semantics = [], scalar_prefetch = 0 : i64, scratch_operands = 0 : i64, tpu.core_type = #tpu.core_type<tc>} {
    %get3A = arith.constant 0 : index
    %get3A_0 = arith.constant 0 : index
    %get3A_1 = vector.load %arg0[%get3A, %get3A_0] : memref<10000x128xf32, #tpu.memory_space<vmem>>, vector<10000x128xf32>
    %get3A_2 = arith.constant 0 : index
    %get3A_3 = arith.constant 0 : index
    %get3A_4 = vector.load %arg1[%get3A_2, %get3A_3] : memref<128x32xf32, #tpu.memory_space<vmem>>, vector<128x32xf32>
    %dot_general3A = arith.constant dense<0.000000e+00> : vector<10000x32xf32>
    %dot_general3A_5 = tpu.matmul %get3A_1, %get3A_4, %dot_general3A {dimension_numbers = #tpu.dot_dimension_numbers<[1], [0], [0], [1], [0, 0, 1, 1], [], []>, transpose_lhs_hint = false} : vector<10000x128xf32>, vector<128x32xf32>, vector<10000x32xf32> -> vector<10000x32xf32>
    %iota3A = tpu.iota {dimensions = array<i32: 1>} : vector<1x32xi32>
    %eq3A = arith.constant 20 : i32
    %eq3A_6 = vector.broadcast %eq3A : i32 to vector<1x32xi32>
    %eq3A_7 = arith.cmpi eq, %iota3A, %eq3A_6 : vector<1x32xi32>
    %jit3A = arith.constant 1.000000e+00 : f32
    %jit3A_8 = arith.constant 0.000000e+00 : f32
    %broadcast_in_dim3A = vector.broadcast %jit3A : f32 to vector<1x32xf32>
    %broadcast_in_dim3A_9 = vector.broadcast %jit3A_8 : f32 to vector<1x32xf32>
    %select_n3A = arith.select %eq3A_7, %broadcast_in_dim3A, %broadcast_in_dim3A_9 : vector<1x32xi1>, vector<1x32xf32>
    %add3A = vector.broadcast %select_n3A : vector<1x32xf32> to vector<10000x32xf32>
    %add3A_10 = arith.addf %dot_general3A_5, %add3A : vector<10000x32xf32>
    %swap3A = arith.constant 0 : index
    %swap3A_11 = arith.constant 0 : index
    %swap3A_12 = vector.load %arg3[%swap3A, %swap3A_11] : memref<10000x32xf32, #tpu.memory_space<vmem>>, vector<10000x32xf32>
    tpu.vector_store %arg3[%swap3A, %swap3A_11], %add3A_10 {strides = array<i32>} : memref<10000x32xf32, #tpu.memory_space<vmem>>, vector<10000x32xf32>,
    %get3A_13 = arith.constant 0 : index
    %get3A_14 = arith.constant 0 : index
    %get3A_15 = vector.load %arg2[%get3A_13, %get3A_14] : memref<32x2xf32, #tpu.memory_space<vmem>>, vector<32x2xf32>
    %dot_general3A_16 = arith.constant dense<0.000000e+00> : vector<10000x2xf32>
    %dot_general3A_17 = tpu.matmul %add3A_10, %get3A_15, %dot_general3A_16 {dimension_numbers = #tpu.dot_dimension_numbers<[1], [0], [0], [1], [0, 0, 1, 1], [], []>, transpose_lhs_hint = false} : vector<10000x32xf32>, vector<32x2xf32>, vector<10000x2xf32> -> vector<10000x2xf32>
    %swap3A_18 = arith.constant 0 : index
    %swap3A_19 = arith.constant 0 : index
    %swap3A_20 = vector.load %arg4[%swap3A_18, %swap3A_19] : memref<10000x2xf32, #tpu.memory_space<vmem>>, vector<10000x2xf32>
    tpu.vector_store %arg4[%swap3A_18, %swap3A_19], %dot_general3A_17 {strides = array<i32>} : memref<10000x2xf32, #tpu.memory_space<vmem>>, vector<10000x2xf32>,
    %reduce_max3A = arith.constant dense<0xFF800000> : vector<2xf32>
    %reduce_max3A_21 = vector.multi_reduction <maximumf>, %dot_general3A_17, %reduce_max3A [0] : vector<10000x2xf32> to vector<2xf32>
    %broadcast_in_dim3A_22 = vector.shape_cast %reduce_max3A_21 : vector<2xf32> to vector<1x2xf32>
    %slice3A = vector.extract_strided_slice %broadcast_in_dim3A_22 {offsets = [0, 0], sizes = [1, 1], strides = [1, 1]} : vector<1x2xf32> to vector<1x1xf32>
    %slice3A_23 = vector.extract_strided_slice %broadcast_in_dim3A_22 {offsets = [0, 1], sizes = [1, 1], strides = [1, 1]} : vector<1x2xf32> to vector<1x1xf32>
    %add3A_24 = arith.addf %slice3A, %slice3A_23 : vector<1x1xf32>
    %ge3A = arith.constant 0.000000e+00 : f32
    %ge3A_25 = vector.broadcast %ge3A : f32 to vector<1x1xf32>
    %ge3A_26 = arith.cmpf oge, %add3A_24, %ge3A_25 : vector<1x1xf32>
    %mul3A = arith.constant 2.000000e-01 : f32
    %mul3A_27 = vector.broadcast %mul3A : f32 to vector<1x1xf32>
    %mul3A_28 = arith.mulf %mul3A_27, %add3A_24 : vector<1x1xf32>
    %select_n3A_29 = arith.select %ge3A_26, %add3A_24, %mul3A_28 : vector<1x1xi1>, vector<1x1xf32>
    %broadcast_in_dim3A_30 = vector.shape_cast %select_n3A_29 : vector<1x1xf32> to vector<1x1xf32>
    %broadcast_in_dim3A_31 = vector.broadcast %broadcast_in_dim3A_30 : vector<1x1xf32> to vector<1x128xf32>
    %swap3A_32 = arith.constant 0 : index
    %swap3A_33 = arith.constant 0 : index
    %swap3A_34 = vector.load %arg5[%swap3A_32, %swap3A_33] : memref<1x128xf32, #tpu.memory_space<vmem>>, vector<1x128xf32>
    tpu.vector_store %arg5[%swap3A_32, %swap3A_33], %broadcast_in_dim3A_31 {strides = array<i32>} : memref<1x128xf32, #tpu.memory_space<vmem>>, vector<1x128xf32>,
    return
  }
}

module attributes {stable_mosaic.version = 14 : i64} {
  func.func @_finish_body(%arg0: memref<2x10000x32xf32, #tpu.memory_space<vmem>>, %arg1: memref<10000x32xf32, #tpu.memory_space<vmem>>, %arg2: memref<10000x2xf32, #tpu.memory_space<vmem>>, %arg3: memref<1x128xf32, #tpu.memory_space<vmem>>, %arg4: memref<1x10000xi32, #tpu.memory_space<vmem>>, %arg5: memref<1x20xf32, #tpu.memory_space<vmem>>, %arg6: memref<20x5xf32, #tpu.memory_space<vmem>>, %arg7: memref<5xf32, #tpu.memory_space<vmem>>, %arg8: memref<64x5xf32, #tpu.memory_space<vmem>>) attributes {dimension_semantics = [], scalar_prefetch = 0 : i64, scratch_operands = 0 : i64, tpu.core_type = #tpu.core_type<tc>} {
    %get3A = arith.constant 0 : index
    %get3A_0 = arith.constant 0 : index
    %get3A_1 = arith.constant 0 : index
    %get3A_2 = vector.load %arg0[%get3A, %get3A_0, %get3A_1] : memref<2x10000x32xf32, #tpu.memory_space<vmem>>, vector<1x10000x32xf32>
    %get3A_3 = vector.shape_cast %get3A_2 : vector<1x10000x32xf32> to vector<10000x32xf32>
    %get3A_4 = arith.constant 1 : index
    %get3A_5 = arith.constant 0 : index
    %get3A_6 = arith.constant 0 : index
    %get3A_7 = vector.load %arg0[%get3A_4, %get3A_5, %get3A_6] : memref<2x10000x32xf32, #tpu.memory_space<vmem>>, vector<1x10000x32xf32>
    %get3A_8 = vector.shape_cast %get3A_7 : vector<1x10000x32xf32> to vector<10000x32xf32>
    %add3A = arith.addf %get3A_3, %get3A_8 : vector<10000x32xf32>
    %get3A_9 = arith.constant 0 : index
    %get3A_10 = arith.constant 0 : index
    %get3A_11 = vector.load %arg2[%get3A_9, %get3A_10] : memref<10000x2xf32, #tpu.memory_space<vmem>>, vector<10000x1xf32>
    %get3A_12 = arith.constant 0 : index
    %get3A_13 = arith.constant 1 : index
    %get3A_14 = vector.load %arg2[%get3A_12, %get3A_13] : memref<10000x2xf32, #tpu.memory_space<vmem>>, vector<10000x1xf32>
    %add3A_15 = arith.addf %get3A_11, %get3A_14 : vector<10000x1xf32>
    %ge3A = arith.constant 0.000000e+00 : f32
    %ge3A_16 = vector.broadcast %ge3A : f32 to vector<10000x1xf32>
    %ge3A_17 = arith.cmpf oge, %add3A_15, %ge3A_16 : vector<10000x1xf32>
    %mul3A = arith.constant 2.000000e-01 : f32
    %mul3A_18 = vector.broadcast %mul3A : f32 to vector<10000x1xf32>
    %mul3A_19 = arith.mulf %mul3A_18, %add3A_15 : vector<10000x1xf32>
    %select_n3A = arith.select %ge3A_17, %add3A_15, %mul3A_19 : vector<10000x1xi1>, vector<10000x1xf32>
    %get3A_20 = arith.constant 0 : index
    %get3A_21 = arith.constant 0 : index
    %get3A_22 = vector.load %arg3[%get3A_20, %get3A_21] : memref<1x128xf32, #tpu.memory_space<vmem>>, vector<1x1xf32>
    %sub3A = vector.broadcast %get3A_22 : vector<1x1xf32> to vector<10000x1xf32>
    %sub3A_23 = arith.subf %select_n3A, %sub3A : vector<10000x1xf32>
    %exp3A = math.exp %sub3A_23 : vector<10000x1xf32>
    %get3A_24 = arith.constant 0 : index
    %get3A_25 = arith.constant 0 : index
    %get3A_26 = vector.load %arg1[%get3A_24, %get3A_25] : memref<10000x32xf32, #tpu.memory_space<vmem>>, vector<10000x32xf32>
    %mul3A_27 = vector.broadcast %exp3A : vector<10000x1xf32> to vector<10000x32xf32>
    %mul3A_28 = arith.mulf %mul3A_27, %get3A_26 : vector<10000x32xf32>
    %add3A_29 = arith.addf %add3A, %mul3A_28 : vector<10000x32xf32>
    %slice3A = vector.extract_strided_slice %add3A_29 {offsets = [0, 0], sizes = [10000, 20], strides = [1, 1]} : vector<10000x32xf32> to vector<10000x20xf32>
    %slice3A_30 = vector.extract_strided_slice %add3A_29 {offsets = [0, 20], sizes = [10000, 1], strides = [1, 1]} : vector<10000x32xf32> to vector<10000x1xf32>
    %add3A_31 = arith.constant 1.000000e-16 : f32
    %add3A_32 = vector.broadcast %add3A_31 : f32 to vector<10000x1xf32>
    %add3A_33 = arith.addf %slice3A_30, %add3A_32 : vector<10000x1xf32>
    %div3A = vector.broadcast %add3A_33 : vector<10000x1xf32> to vector<10000x20xf32>
    %div3A_34 = arith.divf %slice3A, %div3A : vector<10000x20xf32>
    %get3A_35 = arith.constant 0 : index
    %get3A_36 = arith.constant 0 : index
    %get3A_37 = vector.load %arg5[%get3A_35, %get3A_36] : memref<1x20xf32, #tpu.memory_space<vmem>>, vector<1x20xf32>
    %add3A_38 = vector.broadcast %get3A_37 : vector<1x20xf32> to vector<10000x20xf32>
    %add3A_39 = arith.addf %div3A_34, %add3A_38 : vector<10000x20xf32>
    %ge3A_40 = arith.constant 0.000000e+00 : f32
    %ge3A_41 = vector.broadcast %ge3A_40 : f32 to vector<10000x20xf32>
    %ge3A_42 = arith.cmpf oge, %add3A_39, %ge3A_41 : vector<10000x20xf32>
    %mul3A_43 = arith.constant 0.00999999977 : f32
    %mul3A_44 = vector.broadcast %mul3A_43 : f32 to vector<10000x20xf32>
    %mul3A_45 = arith.mulf %mul3A_44, %add3A_39 : vector<10000x20xf32>
    %select_n3A_46 = arith.select %ge3A_42, %add3A_39, %mul3A_45 : vector<10000x20xi1>, vector<10000x20xf32>
    %iota3A = tpu.iota {dimensions = array<i32: 0>} : vector<64x10000xi32>
    %get3A_47 = arith.constant 0 : index
    %get3A_48 = arith.constant 0 : index
    %get3A_49 = vector.load %arg4[%get3A_47, %get3A_48] : memref<1x10000xi32, #tpu.memory_space<vmem>>, vector<1x10000xi32>
    %eq3A = vector.broadcast %get3A_49 : vector<1x10000xi32> to vector<64x10000xi32>
    %eq3A_50 = arith.cmpi eq, %eq3A, %iota3A : vector<64x10000xi32>
    %convert_element_type3A = arith.extui %eq3A_50 : vector<64x10000xi1> to vector<64x10000xi32>
    %convert_element_type3A_51 = arith.sitofp %convert_element_type3A : vector<64x10000xi32> to vector<64x10000xf32>
    %dot_general3A = arith.constant dense<0.000000e+00> : vector<64x20xf32>
    %dot_general3A_52 = tpu.matmul %convert_element_type3A_51, %select_n3A_46, %dot_general3A {dimension_numbers = #tpu.dot_dimension_numbers<[1], [0], [0], [1], [0, 0, 1, 1], [], []>, transpose_lhs_hint = false} : vector<64x10000xf32>, vector<10000x20xf32>, vector<64x20xf32> -> vector<64x20xf32>
    %broadcast_in_dim3A = arith.constant 1.000000e+00 : f32
    %broadcast_in_dim3A_53 = vector.broadcast %broadcast_in_dim3A : f32 to vector<10000x1xf32>
    %dot_general3A_54 = arith.constant dense<0.000000e+00> : vector<64x1xf32>
    %dot_general3A_55 = tpu.matmul %convert_element_type3A_51, %broadcast_in_dim3A_53, %dot_general3A_54 {dimension_numbers = #tpu.dot_dimension_numbers<[1], [0], [0], [1], [0, 0, 1, 1], [], []>, transpose_lhs_hint = false} : vector<64x10000xf32>, vector<10000x1xf32>, vector<64x1xf32> -> vector<64x1xf32>
    %max3A = arith.constant 1.000000e+00 : f32
    %max3A_56 = vector.broadcast %max3A : f32 to vector<64x1xf32>
    %max3A_57 = arith.maximumf %dot_general3A_55, %max3A_56 : vector<64x1xf32>
    %div3A_58 = vector.broadcast %max3A_57 : vector<64x1xf32> to vector<64x20xf32>
    %div3A_59 = arith.divf %dot_general3A_52, %div3A_58 : vector<64x20xf32>
    %get3A_60 = arith.constant 0 : index
    %get3A_61 = arith.constant 0 : index
    %get3A_62 = vector.load %arg6[%get3A_60, %get3A_61] : memref<20x5xf32, #tpu.memory_space<vmem>>, vector<20x5xf32>
    %dot_general3A_63 = arith.constant dense<0.000000e+00> : vector<64x5xf32>
    %dot_general3A_64 = tpu.matmul %div3A_59, %get3A_62, %dot_general3A_63 {dimension_numbers = #tpu.dot_dimension_numbers<[1], [0], [0], [1], [0, 0, 1, 1], [], []>, transpose_lhs_hint = false} : vector<64x20xf32>, vector<20x5xf32>, vector<64x5xf32> -> vector<64x5xf32>
    %get3A_65 = arith.constant 0 : index
    %get3A_66 = vector.load %arg7[%get3A_65] : memref<5xf32, #tpu.memory_space<vmem>>, vector<5xf32>
    %broadcast_in_dim3A_67 = vector.shape_cast %get3A_66 : vector<5xf32> to vector<1x5xf32>
    %add3A_68 = vector.broadcast %broadcast_in_dim3A_67 : vector<1x5xf32> to vector<64x5xf32>
    %add3A_69 = arith.addf %dot_general3A_64, %add3A_68 : vector<64x5xf32>
    %reduce_max3A = arith.constant dense<0xFF800000> : vector<64xf32>
    %reduce_max3A_70 = vector.multi_reduction <maximumf>, %add3A_69, %reduce_max3A [1] : vector<64x5xf32> to vector<64xf32>
    %broadcast_in_dim3A_71 = vector.shape_cast %reduce_max3A_70 : vector<64xf32> to vector<64x1xf32>
    %sub3A_72 = vector.broadcast %broadcast_in_dim3A_71 : vector<64x1xf32> to vector<64x5xf32>
    %sub3A_73 = arith.subf %add3A_69, %sub3A_72 : vector<64x5xf32>
    %exp3A_74 = math.exp %sub3A_73 : vector<64x5xf32>
    %reduce_sum3A = arith.constant dense<0.000000e+00> : vector<64xf32>
    %reduce_sum3A_75 = vector.multi_reduction <add>, %exp3A_74, %reduce_sum3A [1] : vector<64x5xf32> to vector<64xf32>
    %broadcast_in_dim3A_76 = vector.shape_cast %reduce_sum3A_75 : vector<64xf32> to vector<64x1xf32>
    %div3A_77 = vector.broadcast %broadcast_in_dim3A_76 : vector<64x1xf32> to vector<64x5xf32>
    %div3A_78 = arith.divf %exp3A_74, %div3A_77 : vector<64x5xf32>
    %swap3A = arith.constant 0 : index
    %swap3A_79 = arith.constant 0 : index
    %swap3A_80 = vector.load %arg8[%swap3A, %swap3A_79] : memref<64x5xf32, #tpu.memory_space<vmem>>, vector<64x5xf32>
    tpu.vector_store %arg8[%swap3A, %swap3A_79], %div3A_78 {strides = array<i32>} : memref<64x5xf32, #tpu.memory_space<vmem>>, vector<64x5xf32>,
    return
  }
}

</mosaic_0001>

<sc_bundles>
// kernel: kernel.5.cloned.1.call-start
scs
__scs_entry_jumppad:
0x0: {  	(pc) =	sbr.rel $0x88, $3  }
0x1: {  	(tag) =	ssettag $0x0;
	lr =	simm.s32 $0x1  }
0x2: {  	[smem:$0x3F98] =	sst lr;
	_ =	strace $0xD0000000  }
0x3: {  	_ = 	snop  }
0x4: {  	_ = 	snop  }
0x5: {  	_ = 	snop  }
0x6: {  	_ = 	snop  }
0x7: {  	_ = 	snop  }
__scs_overlays_trampoline_lowered:
0x8: {  	[smem:$0x3FA7] =	sst s0  }
0x9: {  	[smem:$0x3FA8] =	sst s1  }
0xa: {  	[smem:$0x3FA9] =	sst s2  }
0xb: {  	[smem:$0x3FAA] =	sst s3  }
0xc: {  	[smem:$0x3FAB] =	sst s4  }
0xd: {  	[smem:$0x3FAC] =	sst s5  }
0xe: {  	[smem:$0x3FAD] =	sst s6  }
0xf: {  	[smem:$0x3FAE] =	sst s7  }
0x10: {  	[smem:$0x3FAF] =	sst s8  }
0x11: {  	[smem:$0x3FB0] =	sst s9;
	s0 =	simm.s32 @!p0 $0x0  }
0x12: {  	s1 =	sld [smem:$0x3F96];
	s0 =	simm.s32 @p0 $0x1  }
0x13: {  	[smem:$0x3FB1] =	sst s0;
	s0 =	simm.s32 @!p1 $0x0  }
0x14: {  	s2 =	sld [smem:$0x3F95];
	s0 =	simm.s32 @p1 $0x1  }
0x15: {  	[smem:$0x3FB2] =	sst s0;
	s0 =	simm.s32 @!p2 $0x0  }
0x16: {  	s3 =	sld [smem:$0x3FDB];
	s0 =	simm.s32 @p2 $0x1  }
0x17: {  	s4 =	simm.s32 $0x1BF5;
	[smem:$0x3FB4] =	sst s0  }
0x18: {  	s0 =	sld [smem:$0x3F97];
	_ =	swait.ge [sflag:s4], $0x0  }
0x19: {  	s7 =	sld [smem:$0x3F98]  }
0x1a: {  	s8 =	sadd.s32 $0xFFFFE003, lr  }
0x1b: {  	s9 =	sadd.s32 $0xFFFFFEF7, lr;
	s5 =	simm.s32 $0xFFFFFFFF;
	p2 =	slt.u32 s8, $0xFFFFF086  }
0x1c: {  	p1 =	slt.u32 s9, $0xF7A;
	s5 =	simm.s32 @!p2 $0x0  }
0x1d: {  	s5 =	simm.s32 @p1 $0x1;
	p0 =	seq.s32 s7, s2  }
0x1e: {  	s7 =	smul.u32 @!p0 $0xF7A, s2;
	p2 =	seq.s32 @!p0 s5, $0x0  }
0x1f: {  	s9 =	smul.u32 $0xF7A, s1;
	s8 =	simm.s32 @!p0 $0x1BF5;
	p2 =	por !p2, p0  }
0x20: {  	[sflag:s8] =	ssyncset.s32 @!p0 $0xFFFFF086;
	s6 =	sadd.s32 @!p0 s3, s7;
	s7 =	simm.s32 @!p0 $0x108  }
0x21: {  	s3 =	sadd.s32 s3, s9;
	s6 =	sadd.s32 @!p0 $0x88, s6;
	s7 =	simm.s32 @p2 $0x1082  }
0x22: {  	[simem:s7], [sflag:s8] =	dma.local @!p0 [hbm:s6], $0xF7A  }
0x23: {  	s9 =	sor.u32 $0xD0000000, s2;
	s6 =	simm.s32 $0x108;
	_ =	swait.ge @!p0 [sflag:s8], $0x0  }
0x24: {  	s3 =	sadd.s32 $0x88, s3;
	s6 =	simm.s32 @!p1 $0x1082;
	[sflag:s4] =	ssyncset.s32 $0xFFFFF086  }
0x25: {  	[simem:s6], [sflag:s4] =	dma.local [hbm:s3], $0xF7A  }
0x26: {  	[smem:$0x3F98] =	sst s1;
	(tag) =	ssettag s2;
	_ =	strace s9  }
0x27: {  	s1 =	sld [smem:$0x3FA8]  }
0x28: {  	s2 =	sld [smem:$0x3FA9]  }
0x29: {  	s4 =	sld [smem:$0x3FAB]  }
0x2a: {  	p0 =	seq.s32 s5, $0x0;
	s5 =	sld [smem:$0x3FAC]  }
0x2b: {  	s6 =	sld [smem:$0x3FAD]  }
0x2c: {  	s7 =	sld [smem:$0x3FAE]  }
0x2d: {  	s3 =	simm.s32 $0x108;
	s8 =	sld [smem:$0x3FAF]  }
0x2e: {  	s3 =	simm.s32 @!p0 $0x1082;
	s9 =	sld [smem:$0x3FB0]  }
0x2f: {  	lr =	sadd.s32 s0, s3;
	s0 =	sld [smem:$0x3FA7]  }
0x30: {  	s3 =	sld [smem:$0x3FAA]  }
0x31: {  	[smem:$0x3FB3] =	sst s10  }
0x32: {  	s10 =	sld [smem:$0x3FB1];
	_ =	sdelay $0x3  }
0x33: {  	p0 =	seq.s32 s10, $0x1;
	s10 =	sld [smem:$0x3FB3];
	_ =	sdelay $0x3  }
0x34: {  	[smem:$0x3FB3] =	sst s10  }
0x35: {  	s10 =	sld [smem:$0x3FB2];
	_ =	sdelay $0x3  }
0x36: {  	p1 =	seq.s32 s10, $0x1;
	s10 =	sld [smem:$0x3FB3];
	_ =	sdelay $0x3  }
0x37: {  	[smem:$0x3FB3] =	sst s10  }
0x38: {  	s10 =	sld [smem:$0x3FB4]  }
0x39: {  	_ = 	snop;
	(pc) =	sbr.ind lr, $3  }
0x3a: {  	_ = 	snop  }
0x3b: {  	_ = 	snop  }
0x3c: {  	p2 =	seq.s32 s10, $0x1;
	s10 =	sld [smem:$0x3FB3]  }
0x3d: {  	_ =	shalt  }
0x3e: {  	_ =	shalt  }
0x3f: {  	_ =	shalt  }
0x40: {  	_ =	shalt  }
0x41: {  	_ =	shalt  }
0x42: {  	_ =	shalt  }
0x43: {  	_ =	shalt  }
0x44: {  	_ =	shalt  }
0x45: {  	_ =	shalt  }
0x46: {  	_ =	shalt  }
0x47: {  	_ =	shalt  }
0x48: {  	_ =	shalt  }
0x49: {  	_ =	shalt  }
0x4a: {  	_ =	shalt  }
0x4b: {  	_ =	shalt  }
0x4c: {  	_ =	shalt  }
0x4d: {  	_ =	shalt  }
0x4e: {  	_ =	shalt  }
0x4f: {  	_ =	shalt  }
0x50: {  	_ =	shalt  }
0x51: {  	_ =	shalt  }
0x52: {  	_ =	shalt  }
0x53: {  	_ =	shalt  }
0x54: {  	_ =	shalt  }
0x55: {  	_ =	shalt  }
0x56: {  	_ =	shalt  }
0x57: {  	_ =	shalt  }
0x58: {  	_ =	shalt  }
0x59: {  	_ =	shalt  }
0x5a: {  	_ =	shalt  }
0x5b: {  	_ =	shalt  }
0x5c: {  	_ =	shalt  }
0x5d: {  	_ =	shalt  }
0x5e: {  	_ =	shalt  }
0x5f: {  	_ =	shalt  }
0x60: {  	_ =	shalt  }
0x61: {  	_ =	shalt  }
0x62: {  	_ =	shalt  }
0x63: {  	_ =	shalt  }
0x64: {  	_ =	shalt  }
0x65: {  	_ =	shalt  }
0x66: {  	_ =	shalt  }
0x67: {  	_ =	shalt  }
0x68: {  	_ =	shalt  }
0x69: {  	_ =	shalt  }
0x6a: {  	_ =	shalt  }
0x6b: {  	_ =	shalt  }
0x6c: {  	_ =	shalt  }
0x6d: {  	_ =	shalt  }
0x6e: {  	_ =	shalt  }
0x6f: {  	_ =	shalt  }
0x70: {  	_ =	shalt  }
0x71: {  	_ =	shalt  }
0x72: {  	_ =	shalt  }
0x73: {  	_ =	shalt  }
0x74: {  	_ =	shalt  }
0x75: {  	_ =	shalt  }
0x76: {  	_ =	shalt  }
0x77: {  	_ =	shalt  }
0x78: {  	_ =	shalt  }
0x79: {  	_ =	shalt  }
0x7a: {  	_ =	shalt  }
0x7b: {  	_ =	shalt  }
0x7c: {  	_ =	shalt  }
0x7d: {  	_ =	shalt  }
0x7e: {  	_ =	shalt  }
0x7f: {  	_ =	shalt  }
0x80: {  	_ =	shalt  }
0x81: {  	_ =	shalt  }
0x82: {  	_ =	shalt  }
0x83: {  	_ =	shalt  }
0x84: {  	_ =	shalt  }
0x85: {  	_ =	shalt  }
0x86: {  	_ =	shalt  }
0x87: {  	_ =	shalt  }
.Lfunc_end0:
.L_simem_size_0:
called_computation_lowered:
.L_overlay_start_0:
0x88: {  	s2 =	sld [smem:$0x3FD9]  }
0x89: {  	s3 =	sld [smem:$0x3FFE];
	_ =	sdelay $0x1  }
0x8a: {  	s1 =	srdreg.scid  }
0x8b: {  	s0 =	sand.u32 $0x1, s1  }
0x8c: {  	s17 =	sshll.u32 s0, $0xA;
	s2 =	sadd.s32 s3, s2  }
0x8d: {  	s2 =	sadd.s32 s2, s17  }
0x8e: {  	[smem:$0x3FBF] =	sst s2  }
0x8f: {  	_ = 	snop  }
0x90: {  	s2 =	sld [smem:$0x3FD0];
	(tm) =	ssettm $0x1  }
0x91: {  	s18 =	sld [smem:$0x3FFB];
	_ =	sdelay $0x3  }
0x92: {  	_ =	strace s18  }
0x93: {  	s3 =	sld [smem:$0x3FFC];
	_ =	sdelay $0x3  }
0x94: {  	_ =	strace s3  }
0x95: {  	s3 =	sld [smem:$0x3FFD];
	_ =	sdelay $0x3  }
0x96: {  	_ =	strace s3  }
0x97: {  	_ =	strace $0x8FFFFFFF  }
0x98: {  	s19 =	sld [smem:$0x3FDB];
	_ =	sdelay $0x1  }
0x99: {  	s4 =	simm.s32 $_scs_section_size  }
0x9a: {  	s5 =	simm.s32 $_size__tile_overlayer_lowered;
	s6 =	simm.s32 $_tile_overlayer_lowered  }
0x9b: {  	s22 =	simm.s32 $0x1BFF;
	s21 =	sshll.u32 s6, $0x1;
	s3 =	sadd.s32 s4, s19  }
0x9c: {  	s7 =	simm.s32 $0x0;
	s20 =	sshll.u32 s5, $0x1;
	s5 =	sadd.s32 s21, s3  }
0x9d: {  	[timem:s7], [sflag:s22] =	dma.local [hbm:s5], s20  }
0x9e: {  	_ =	swait.ge [sflag:s22], s20  }
0x9f: {  	s4 =	ssub.s32 $0x0, s20;
	[sflag:s22] =	ssyncset.done $0x0  }
0xa0: {  	[sflag:s22] =	ssyncadd.s32 s4;
	_ =	sdelay $0x1  }
0xa1: {  	s23 =	simm.s32 $0x1B8B  }
0xa2: {  	_ =	swait.ge [sflag:s23], $0x1  }
0xa3: {  	[sflag:s23] =	ssyncset.done $0x0  }
0xa4: {  	s25 =	simm.s32 $0x1B8E;
	s24 =	sld [smem:$0x3FFE];
	[sflag:s23] =	ssyncadd.s32 $0xFFFFFFFF  }
0xa5: {  	s26 =	simm.s32 $execute0_lowered;
	[smem:$0x3FD2] =	sst s25  }
0xa6: {  	s5 =	sshll.u32 s26, $0x1;
	_ =	strace $0x80000046;
	[dreg:$0x1] =	wrdreg $0xFFFFFFFF  }
0xa7: {  	s28 =	simm.s32 $_size_execute0_lowered;
	s3 =	sadd.s32 s3, s5;
	[dreg:$0x0] =	wrdreg $0x0  }
0xa8: {  	s5 =	sshll.u32 s28, $0x1;
	[dreg:$0x2] =	wrdreg s3  }
0xa9: {  	[dreg:$0x3] =	wrdreg s5  }
0xaa: {  	[dreg:$0x4] =	wrdreg $0xC0  }
0xab: {  	_ =	task [dreg:s7], $0x5FFFF  }
0xac: {  	[dreg:$0x1] =	wrdreg $0xFFFFFFFF  }
0xad: {  	[dreg:$0x0] =	wrdreg $0x60  }
0xae: {  	[dreg:$0x2] =	wrdreg s24  }
0xaf: {  	[dreg:$0x3] =	wrdreg s2  }
0xb0: {  	[dreg:$0x4] =	wrdreg $0xFFA00  }
0xb1: {  	[dreg:$0x5] =	wrdreg $0x9  }
0xb2: {  	_ =	task.clear_ibuf [dreg:s7], $0x6FFFF;
	_ =	strace $0x90000046  }
0xb3: {  	s29 =	simm.s32 $0x9;
	_ =	strace $0x80000048  }
0xb4: {  	_ =	swait.ge [sflag:s29], $0x1  }
0xb5: {  	[sflag:s29] =	ssyncadd.s32 $0xFFFFFFFF  }
0xb6: {  	_ =	strace $0x90000048  }
0xb7: {  	_ =	sfence  }
0xb8: {  	s30 =	sld [smem:$0x0];
	_ =	sdelay $0x2  }
0xb9: {  	s31 =	sshll.u32 s1, $0xD;
	s1 =	sshrl.u32 s1, $0x2  }
0xba: {  	s3 =	sand.u32 $0x4000, s31;
	s1 =	sadd.s32 s1, s30  }
0xbb: {  	s0 =	sor.u32 s3, s0;
	s1 =	sshll.u32 s1, $0x11  }
0xbc: {  	s0 =	sor.u32 s1, s0  }
0xbd: {  	s0 =	sadd.s32 $0x8F2B, s0  }
0xbe: {  	[sflag:s0] =	ssyncadd.remote.s32 $0x1  }
0xbf: {  	_ =	sfence.sel $0xFFFF  }
0xc0: {  	[dreg:$0x0] =	wrdreg $0xFFFFFFFF;
	(pc) =	sbr.abs _section_cstart, $3  }
0xc1: {  	[dreg:$0x1] =	wrdreg $0xFFFFFFFF  }
0xc2: {  	_ =	task.clear_ibuf [dreg:s7], $0x2FFFF;
	_ =	strace $0x9FFFFFFF  }
0xc3: {  	(tm) =	ssettm $0x7FFFFFFF  }
tec
execute0_lowered:
.L_overlay_start_1:
0x0: {  	(tag) =	ssettag $0x1  }
0x1: {  	s1 =	rddreg [dreg:$0x0]  }
0x2: {  	s0 =	srdreg.scid;
	s3 =	rddreg [dreg:$0x2];
	s15 =	simm.s32 $0x4E30  }
0x3: {  	s16 =	simm.s32 $0x7540;
	s17 =	simm.s32 $0x1;
	s18 =	simm.s32 $0x50  }
0x4: {  	s19 =	simm.s32 $0x9C50;
	s20 =	simm.s32 $0x3;
	s21 =	simm.s32 $0x4  }
0x5: {  	s22 =	simm.s32 $0xB050;
	s7 =	sand.u32 $0x1, s0;
	s0 =	stileid.u32  }
0x6: {  	s23 =	simm.s32 $0xA650;
	s25 =	simm.s32 $0x2;
	s10 =	smul.u32 $0x13C00, s0  }
0x7: {  	s26 =	simm.s32 $0x0;
	s4 =	sshll.u32 s7, $0x4;
	s12 =	smul.u32 $0x4E200, s7  }
0x8: {  	s9 =	ssub.s32 $0x2, s7;
	s14 =	smul.u32 $0x4F00, s0;
	p0 =	seq.s32 s0, $0xF  }
0x9: {  	s5 =	sor.u32 s0, s4;
	s4 =	simm.s32 $0x0;
	s11 =	sshrl.u32 s9, $0x1  }
0xa: {  	s6 =	smul.u32 $0x2710, s5;
	[smem:$0x7FF] =	sst s4;
	s5 =	sadd.s32 $0x1800, s1  }
0xb: {  	s13 =	ssub.s32 s9, s11;
	s30 =	sshrl.u32 s10, $0x2;
	s31 =	sadd.s32 s14, s12  }
0xc: {  	s12 =	sshrl.u32 s12, $0x3;
	s10 =	sadd.s32 $0x4A100, s3;
	_ =	strace $0x80000047  }
.Ltmp0:
0xd: {  	s9 =	sadd.s32 s30, s3;
	s6 =	sshrl.u32 s6, $0x3;
	(pc) =	sbr.rel .LBB2_1-.Ltmp0, $4  }
0xe: {  	s11 =	sshrl.u32 s31, $0x3;
	s13 =	smax.u32 s13, $0x1;
	s8 =	sadd.s32 s6, s1  }
0xf: {  	s6 =	sadd.s32 $0xB600, s1;
	s1 =	sadd.s32 $0x1FA00, s1;
	s7 =	sadd.s32 $0xC000, s8  }
0x10: {  	v1 =	vimm.s32 $0x0;
	vm0 =	vcmask $0x300;
	s12 =	sadd.s32 s1, s12;
	s11 =	sadd.s32 s1, s11;
	s1 =	sadd.s32 s14, s3  }
0x11: {  	v0 =	vimm.f32 $0.0e+00;
	v1 =	vsel vm0, $0x3, v1;
	s8 =	sadd.s32 $0x15C40, s8;
	s12 =	sadd.s32 $0x9420, s12;
	s24 =	sshrl.u32 @!p0 s1, $0x3  }
.LBB2_16:
0x12: {  	_ =	swait.ge [sflag:s21], $0xA00  }
0x13: {  	[sflag:s21] =	ssyncset.done $0x0  }
0x14: {  	[sflag:s21] =	ssyncadd.s32 $0xFFFFF600  }
0x15: {  	s1 =	sshrl.u32 @p0 s10, $0x3;
	s2 =	simm.s32 @p0 $0x1FC6;
	[bflag:$0x0] =	sbarrier.arrive $0xFFFF  }
0x16: {  	[hbm:s12], [sflag:s2] =	dma.local @p0 [spmem:s1], $0x820  }
0x17: {  	s1 =	simm.s32 @p0 $0x6  }
0x18: {  	_ =	swait.ge @p0 [sflag:s1], $0x820  }
0x19: {  	s26 =	sadd.s32 $0x1, s26;
	s2 =	sshll.u32 @!p0 s0, $0x6;
	[sflag:s1] =	ssyncset.done @p0 $0x0  }
0x1a: {  	p1 =	sne.s32 s26, s13;
	[sflag:s1] =	ssyncadd.s32 @p0 $0xFFFFF7E0;
	s1 =	sor.u32 @!p0 $0x1C06, s2  }
0x1b: {  	[hbm:s11], [sflag:s1] =	dma.local @!p0 [spmem:s24], $0x9E0  }
.Ltmp1:
0x1c: {  	_ = 	snop;
	(pc) =	sbr.rel @!p1 .LBB2_17-.Ltmp1, $4  }
0x1d: {  	s1 =	simm.s32 @!p0 $0x6  }
0x1e: {  	_ =	swait.ge @!p0 [sflag:s1], $0x9E0  }
0x1f: {  	[sflag:s1] =	ssyncset.done @!p0 $0x0  }
0x20: {  	[sflag:s1] =	ssyncadd.s32 @!p0 $0xFFFFF620  }
.LBB2_1:
0x21: {  	[tilespmem:s4], [sflag:$0x1] =	stream.linear.gather [hbm4b:s6+s4], $0x4E20, $0x38;
	[tilespmem:$0x14DC0] =	vst v63  }
0x22: {  	s1 =	rddreg [dreg:$0x1];
	s2 =	simm.s32 $0x4E20  }
0x23: {  	[tilespmem:s2], [sflag:$0x1] =	stream.linear.gather [hbm4b:s1+s4], $0x10, $0x38;
	[tilespmem:$0x14DC0] =	vst v63  }
0x24: {  	_ = 	snop  }
0x25: {  	[tilespmem:s15], [sflag:$0x1] =	stream.linear.gather [hbm4b:s7+s4], $0x2710, $0x38;
	[tilespmem:$0x14DC0] =	vst v63  }
0x26: {  	s28 =	simm.s32 $0x0;
	s1 =	simm.s32 $0x80  }
0x27: {  	[tilespmem:s16], [sflag:$0x1] =	stream.linear.gather [hbm4b:s8+s4], $0x2710, $0x38;
	[tilespmem:$0x14DC0] =	vst v63  }
.LBB2_2:
0x28: {  	p1 =	sne.s32 s1, $0x13B80;
	[tilespmem:s28+$0xB0A0] =	vst v0;
	s29 =	smov.u32 s1;
	s1 =	sadd.s32 $0x80, s1  }
.Ltmp2:
0x29: {  	[tilespmem:s28+$0xB0B0] =	vst v0;
	(pc) =	sbr.rel @p1 .LBB2_2-.Ltmp2, $2  }
0x2a: {  	_ =	sdelay $0x2  }
0x2b: {  	s28 =	sshra.s32 s29, $0x2  }
0x2c: {  	[tilespmem:s28+$0xB0A0] =	vst v0  }
0x2d: {  	[tilespmem:s28+$0xB0B0] =	vst v0;
	s1 =	simm.s32 @p0 $0xB0A0  }
0x2e: {  	[spmem:s10] =	stream.linear.scatter @p0 [tilespmem:s1], [sflag:$0x6], $0x4100, $0x38;
	[tilespmem:$0x14DC0] =	vst v63  }
0x2f: {  	s1 =	simm.s32 @p0 $0x6  }
0x30: {  	_ =	swait.ge @p0 [sflag:s1], $0x4100  }
0x31: {  	[sflag:s1] =	ssyncset.done @p0 $0x0  }
0x32: {  	[sflag:s1] =	ssyncadd.s32 @p0 $0xFFFFBF00;
	s1 =	simm.s32 @!p0 $0xB0A0  }
0x33: {  	[spmem:s9] =	stream.linear.scatter @!p0 [tilespmem:s1], [sflag:$0x6], $0x4F00, $0x38;
	[tilespmem:$0x14DC0] =	vst v63  }
0x34: {  	s1 =	simm.s32 @!p0 $0x6  }
0x35: {  	_ =	swait.ge @!p0 [sflag:s1], $0x4F00  }
0x36: {  	[sflag:s1] =	ssyncset.done @!p0 $0x0  }
0x37: {  	[sflag:s1] =	ssyncadd.s32 @!p0 $0xFFFFB100  }
0x38: {  	_ =	swait.ge [sflag:s17], $0x4E20  }
0x39: {  	[sflag:s17] =	ssyncset.done $0x0  }
0x3a: {  	[sflag:s17] =	ssyncadd.s32 $0xFFFFB1E0  }
0x3b: {  	_ =	swait.ge [sflag:s17], $0x10  }
0x3c: {  	[sflag:s17] =	ssyncset.done $0x0  }
0x3d: {  	[sflag:s17] =	ssyncadd.s32 $0xFFFFFFF0  }
0x3e: {  	_ =	swait.ge [sflag:s17], $0x2710  }
0x3f: {  	[sflag:s17] =	ssyncset.done $0x0  }
0x40: {  	[sflag:s17] =	ssyncadd.s32 $0xFFFFD8F0  }
.Ltmp3:
0x41: {  	_ =	swait.ge [sflag:s17], $0x2710;
	(pc) =	sbr.rel .LBB2_4-.Ltmp3, $4  }
0x42: {  	[sflag:s17] =	ssyncset.done $0x0  }
0x43: {  	[sflag:s17] =	ssyncadd.s32 $0xFFFFD8F0  }
0x44: {  	s28 =	simm.s32 $0x0;
	[bflag:$0x0] =	sbarrier.arrive $0xFFFF  }
0x45: {  	v2 =	vld [tilespmem:$0x4E20];
	[tilespmem:s19], [sflag:$0x2] =	stream.indirect.gather [hbm4b:s5+s18], $0x20, s15, s18, $0xb8  }
.LBB2_9:
0x46: {  	_ = 	snop  }
0x47: {  	v23 =	vld [tilespmem:s30+$0x40]  }
0x48: {  	v24 =	vld [tilespmem:s30+$0x50]  }
0x49: {  	v25 =	vld [tilespmem:s30+$0x60]  }
0x4a: {  	v8 =	vld.idx.msk [tilespmem:v8+s22+$0x0], $0xffff  }
0x4b: {  	v13 =	vld.idx.msk [tilespmem:v13+s22+$0x0], $0xffff  }
0x4c: {  	v15 =	vld.idx.msk [tilespmem:v15+s22+$0x0], $0xffff;
	s14 =	sadd.s32 $0x100, s30  }
0x4d: {  	v42 =	vld [tilespmem:s14+$0x70]  }
0x4e: {  	v44 =	vld [tilespmem:s14+$0xFFFFFF80]  }
0x4f: {  	[tilespmem:s30+$0xFFFFFFD0] =	vst v19;
	v7 =	vmul.f32 v9, v7;
	v46 =	vld [tilespmem:s14+$0xFFFFFF90]  }
0x50: {  	[tilespmem:s30+$0xFFFFFFE0] =	vst v21;
	v10 =	vmul.f32 v10, v6;
	v47 =	vld [tilespmem:s14+$0xFFFFFFA0]  }
0x51: {  	v39 =	vmul.f32 v11, v6;
	v48 =	vld [tilespmem:s14+$0xFFFFFFB0];
	[tilespmem:s30+$0xFFFFFFF0] =	vst v7  }
0x52: {  	v20 =	vbroadcast v20, $0x0;
	v41 =	vmul.f32 v12, v5;
	v50 =	vld [tilespmem:s14+$0xFFFFFFD0];
	[tilespmem:s30+$0x0] =	vst v10  }
0x53: {  	v43 =	vmul.f32 v14, v5;
	v51 =	vld [tilespmem:s14+$0xFFFFFFE0];
	[tilespmem:s30+$0x10] =	vst v39  }
0x54: {  	v16 =	vbroadcast v16, $0x0;
	v53 =	vld [tilespmem:s14+$0xFFFFFFF0];
	[tilespmem:s30+$0x20] =	vst v41;
	v45 =	vmul.f32 v23, v3  }
0x55: {  	v55 =	vld [tilespmem:s14+$0x0];
	[tilespmem:s30+$0x30] =	vst v43;
	v3 =	vmul.f32 v24, v3  }
0x56: {  	v22 =	vmov s1;
	v17 =	vbroadcast v17, $0x0;
	v56 =	vld [tilespmem:s14+$0x10];
	v4 =	vmul.f32 v25, v4;
	[tilespmem:s30+$0x40] =	vst v45  }
0x57: {  	v22 =	vshrl.u32 v22, $0x3;
	v49 =	vmul.f32 v44, v8;
	[tilespmem:s30+$0x50] =	vst v3;
	v3 =	vld [tilespmem:s14+$0xFFFFFFC0]  }
0x58: {  	v18 =	vbroadcast v18, $0x0;
	v22 =	vshll.u32 v22, v1;
	v20 =	vld.idx.msk [tilespmem:v20+s22+$0x0], $0xffff;
	v8 =	vmul.f32 v46, v8;
	[tilespmem:s30+$0x60] =	vst v4  }
0x59: {  	v57 =	vld [tilespmem:s14+$0x20];
	v22 =	vadd.s32 $0x7, v22;
	v52 =	vmul.f32 v47, v13;
	[tilespmem:s14+$0xFFFFFF80] =	vst v49  }
0x5a: {  	v22 =	vbroadcast v22, $0x0;
	v16 =	vld.idx.msk [tilespmem:v16+s22+$0x0], $0xffff;
	v54 =	vmul.f32 v48, v13;
	[tilespmem:s14+$0xFFFFFF90] =	vst v8  }
0x5b: {  	v58 =	vld [tilespmem:s14+$0x30];
	v6 =	vmul.f32 v50, v15;
	[tilespmem:s14+$0xFFFFFFA0] =	vst v52  }
0x5c: {  	v37 =	vld.idx.msk [tilespmem:v17+s22+$0x0], $0xffff;
	[tilespmem:s14+$0xFFFFFFB0] =	vst v54;
	v3 =	vmul.f32 v3, v15  }
0x5d: {  	v60 =	vld [tilespmem:s14+$0x50];
	[tilespmem:s14+$0xFFFFFFD0] =	vst v6;
	v5 =	vmul.f32 v53, v20  }
0x5e: {  	v38 =	vld.idx.msk [tilespmem:v18+s22+$0x0], $0xffff;
	[tilespmem:s14+$0xFFFFFFC0] =	vst v3;
	v3 =	vmul.f32 v51, v20  }
0x5f: {  	v59 =	vld [tilespmem:s14+$0x40];
	v4 =	vmul.f32 v56, v16;
	[tilespmem:s14+$0xFFFFFFF0] =	vst v5  }
0x60: {  	v40 =	vld.idx.msk [tilespmem:v22+s22+$0x0], $0xffff;
	[tilespmem:s14+$0xFFFFFFE0] =	vst v3;
	v3 =	vmul.f32 v55, v16  }
0x61: {  	v61 =	vld [tilespmem:s14+$0x60];
	v62 =	vmul.f32 v58, v37;
	[tilespmem:s14+$0x10] =	vst v4  }
0x62: {  	[tilespmem:s14+$0x0] =	vst v3;
	v3 =	vmul.f32 v57, v37  }
0x63: {  	v63 =	vmul.f32 v60, v38;
	[tilespmem:s14+$0x30] =	vst v62  }
0x64: {  	[tilespmem:s14+$0x20] =	vst v3;
	v3 =	vmul.f32 v59, v38  }
0x65: {  	[tilespmem:s14+$0x50] =	vst v63;
	v11 =	vmul.f32 v42, v40  }
0x66: {  	[tilespmem:s14+$0x40] =	vst v3;
	v3 =	vmul.f32 v61, v40  }
0x67: {  	[tilespmem:s14+$0x70] =	vst v11  }
0x68: {  	s31 =	sadd.s32 $0x7540, s29;
	[tilespmem:s14+$0x60] =	vst v3  }
0x69: {  	[spmem:s3] =	stream.indirect.scatter.add.f32 [tilespmem:s19], [sflag:$0x4], $0x20, s31, s18, $0xb8;
	[tilespmem:$0x14DC0] =	vst v63  }
.LBB2_15:
0x6a: {  	s28 =	sadd.s32 $0x1, s28  }
0x6b: {  	p1 =	sne.s32 s28, $0x7D  }
.Ltmp4:
0x6c: {  	_ = 	snop;
	(pc) =	sbr.rel @!p1 .LBB2_16-.Ltmp4, $1  }
0x6d: {  	_ =	sdelay $0x3  }
.LBB2_4:
0x6e: {  	s1 =	sand.u32 $0x1, s28  }
0x6f: {  	p1 =	seq.s32 s1, $0x1  }
.Ltmp5:
0x70: {  	_ = 	snop;
	(pc) =	sbr.rel @!p1 .LBB2_5-.Ltmp5, $1  }
0x71: {  	_ =	sdelay $0x3  }
0x72: {  	_ =	swait.ge [sflag:s20], $0xA00;
	s29 =	smul.u32 $0x50, s28  }
0x73: {  	[sflag:s20] =	ssyncset.done $0x0  }
0x74: {  	s1 =	smul.u32 $0x140, s28;
	[sflag:s20] =	ssyncadd.s32 $0xFFFFF600;
	v3 =	vmov s29  }
0x75: {  	_ =	swait.ge [sflag:s21], $0xA00  }
0x76: {  	s30 =	simm.s32 $0x0;
	s1 =	sshra.s32 s1, $0x2;
	[sflag:s21] =	ssyncset.done $0x0  }
0x77: {  	p1 =	por $0x1, $0x1;
	s1 =	sadd.s32 $0x4E80, s1;
	[sflag:s21] =	ssyncadd.s32 $0xFFFFF600  }
0x78: {  	[tilespmem:s19], [sflag:$0x2] =	stream.indirect.gather [hbm4b:s5+s18], $0x20, s1, s18, $0xb8;
	[tilespmem:$0x14DC0] =	vst v63  }
.LBB2_11:
0x79: {  	v4 =	vld.idx.msk [tilespmem:v3+s30+$0x4E30 ss:$0x1], $0xffff  }
0x7a: {  	v5 =	vld.idx.msk [tilespmem:v3+s30+$0x7540 ss:$0x1], $0xffff  }
0x7b: {  	v6 =	vld.idx.msk [tilespmem:v3+s30+$0x4E40 ss:$0x1], $0xffff  }
0x7c: {  	v7 =	vld.idx.msk [tilespmem:v3+s30+$0x7550 ss:$0x1], $0xffff;
	_ =	sdelay $0x2  }
0x7d: {  	v4 =	vshll.u32 v4, $0x1  }
0x7e: {  	v5 =	vshll.u32 v5, $0x1;
	v6 =	vshll.u32 v6, $0x1  }
0x7f: {  	v7 =	vshll.u32 v7, $0x1;
	v5 =	vor.u32 $0x1, v5  }
0x80: {  	v7 =	vor.u32 $0x1, v7;
	_ =	sdelay $0x1  }
0x81: {  	v4 =	vld.idx.msk [tilespmem:v4+s4+$0x0], $0xffff  }
0x82: {  	v6 =	vld.idx.msk [tilespmem:v6+s4+$0x0], $0xffff  }
0x83: {  	v5 =	vld.idx.msk [tilespmem:v5+s4+$0x0], $0xffff  }
0x84: {  	v7 =	vld.idx.msk [tilespmem:v7+s4+$0x0], $0xffff;
	_ =	sdelay $0x3  }
0x85: {  	v4 =	vadd.f32 v5, v4  }
0x86: {  	v5 =	vadd.f32 v7, v6  }
0x87: {  	v63 =	vmul.f32 $2.000000030e-01, v4  }
0x88: {  	vm0 =	vge.f32 v4, $0.0e+00;
	v7 =	vmul.f32 $2.000000030e-01, v5  }
0x89: {  	vm15 =	vge.f32 v5, $0.0e+00;
	v4 =	vsel vm0, v4, v63  }
0x8a: {  	v5 =	vsel vm15, v5, v7;
	v4 =	vsub.f32 v4, v2  }
0x8b: {  	v5 =	vsub.f32 v5, v2  }
0x8c: {  	v4 =	vmul.f32 $1.442695020e+00, v4  }
0x8d: {  	v5 =	vmul.f32 $1.442695020e+00, v5  }
0x8e: {  	(erf) = vpow2.f32 v4  }
0x8f: {  	(erf) = vpow2.f32 v5;
	_ =	sdelay $0x4  }
0x90: {  	p2 =	por p1, p1  }
.Ltmp6:
0x91: {  	_ = 	snop;
	(pc) =	sbr.rel @p2 .LBB2_11-.Ltmp6, $4  }
0x92: {  	_ = 	snop  }
0x93: {  	v4 =	vpop (erf)  }
0x94: {  	[tilespmem:s30+$0xB050] =	vst v4;
	v4 =	vpop (erf)  }
0x95: {  	p1 =	por $0x0, $0x0;
	[tilespmem:s30+$0xB060] =	vst v4;
	s30 =	simm.s32 $0x20  }
0x96: {  	v3 =	vld [tilespmem:s29+$0x4E70]  }
0x97: {  	v4 =	vld [tilespmem:s29+$0x7580];
	_ =	sdelay $0x4  }
0x98: {  	v3 =	vshll.u32 v3, $0x1;
	v4 =	vshll.u32 v4, $0x1  }
0x99: {  	v4 =	vor.u32 $0x1, v4;
	_ =	sdelay $0x2  }
0x9a: {  	s1 =	simm.s32 $0x0  }
0x9b: {  	v3 =	vld.idx.msk [tilespmem:v3+s1+$0x0], $0xffff  }
0x9c: {  	v4 =	vld.idx.msk [tilespmem:v4+s1+$0x0], $0xffff;
	_ =	sdelay $0x4  }
0x9d: {  	v3 =	vadd.f32 v4, v3;
	_ =	sdelay $0x1  }
0x9e: {  	v4 =	vmul.f32 $2.000000030e-01, v3  }
0x9f: {  	vm0 =	vge.f32 v3, $0.0e+00  }
0xa0: {  	v3 =	vsel vm0, v3, v4  }
0xa1: {  	v3 =	vsub.f32 v3, v2;
	_ =	sdelay $0x1  }
0xa2: {  	v3 =	vmul.f32 $1.442695020e+00, v3  }
0xa3: {  	s2 =	simm.s32 $0x2;
	s14 =	simm.s32 $0x3  }
0xa4: {  	v5 =	vmov s2;
	v6 =	vmov s14;
	s2 =	simm.s32 $0x5;
	(erf) = vpow2.f32 v3  }
0xa5: {  	v8 =	vmov s2;
	v5 =	vshrl.u32 v5, $0x3;
	v4 =	vmov s1;
	s1 =	simm.s32 $0x1  }
0xa6: {  	v6 =	vshrl.u32 v6, $0x3;
	v3 =	vshrl.u32 v4, $0x3;
	v4 =	vmov s1  }
0xa7: {  	v8 =	vshrl.u32 v8, $0x3;
	v5 =	vshll.u32 v5, v1;
	v4 =	vshrl.u32 v4, $0x3  }
0xa8: {  	v6 =	vshll.u32 v6, v1;
	s1 =	simm.s32 $0x4;
	v3 =	vshll.u32 v3, v1;
	v4 =	vshll.u32 v4, v1  }
0xa9: {  	v7 =	vmov s1;
	v3 =	vbroadcast v3, $0x0;
	v4 =	vadd.s32 $0x1, v4  }
0xaa: {  	v5 =	vadd.s32 $0x2, v5;
	v7 =	vshrl.u32 v7, $0x3;
	v4 =	vbroadcast v4, $0x0  }
0xab: {  	v6 =	vadd.s32 $0x3, v6;
	v5 =	vbroadcast v5, $0x0;
	v7 =	vshll.u32 v7, v1  }
0xac: {  	v8 =	vshll.u32 v8, v1;
	v6 =	vbroadcast v6, $0x0;
	v7 =	vadd.s32 $0x4, v7  }
0xad: {  	s2 =	simm.s32 $0x7;
	v8 =	vadd.s32 $0x5, v8;
	v12 =	vbroadcast v7, $0x0;
	v11 =	vpop (erf)  }
0xae: {  	v10 =	vmov s2;
	v8 =	vbroadcast v8, $0x0;
	[tilespmem:$0xB090] =	vst v11  }
0xaf: {  	v7 =	vshrl.u32 v10, $0x3;
	v10 =	vld.idx.msk [tilespmem:v3+s22+$0x0], $0xffff  }
0xb0: {  	s14 =	simm.s32 $0x6;
	v7 =	vshll.u32 v7, v1;
	v11 =	vld.idx.msk [tilespmem:v4+s22+$0x0], $0xffff  }
0xb1: {  	v9 =	vmov s14;
	v7 =	vadd.s32 $0x7, v7;
	v14 =	vld.idx.msk [tilespmem:v5+s22+$0x0], $0xffff  }
0xb2: {  	v9 =	vshrl.u32 v9, $0x3;
	v4 =	vbroadcast v7, $0x0;
	v7 =	vld.idx.msk [tilespmem:v6+s22+$0x0], $0xffff  }
0xb3: {  	v9 =	vshll.u32 v9, v1;
	v6 =	vld.idx.msk [tilespmem:v12+s22+$0x0], $0xffff  }
0xb4: {  	s30 =	simm.s32 $0xA6D0;
	v9 =	vadd.s32 $0x6, v9;
	v5 =	vld.idx.msk [tilespmem:v8+s22+$0x0], $0xffff  }
0xb5: {  	v3 =	vbroadcast v9, $0x0;
	v9 =	vld [tilespmem:s30+$0x70]  }
0xb6: {  	s2 =	simm.s32 $0xA;
	v16 =	vld [tilespmem:s30+$0xFFFFFF80]  }
0xb7: {  	v13 =	vmov s2;
	s2 =	simm.s32 $0xD;
	v20 =	vld [tilespmem:s30+$0xFFFFFF90]  }
0xb8: {  	s14 =	simm.s32 $0x8;
	v18 =	vmov s2;
	v13 =	vshrl.u32 v13, $0x3;
	v21 =	vld [tilespmem:s30+$0xFFFFFFA0]  }
0xb9: {  	v18 =	vshrl.u32 v18, $0x3;
	v13 =	vshll.u32 v13, v1;
	s1 =	simm.s32 $0x9;
	v8 =	vmov s14;
	v4 =	vld.idx.msk [tilespmem:v4+s22+$0x0], $0xffff  }
0xba: {  	v18 =	vshll.u32 v18, v1;
	s14 =	simm.s32 $0xB;
	v12 =	vmov s1;
	s1 =	simm.s32 $0xC;
	v22 =	vld [tilespmem:s30+$0xFFFFFFB0];
	v8 =	vshrl.u32 v8, $0x3  }
0xbb: {  	v15 =	vmov s14;
	s14 =	simm.s32 $0xE;
	v17 =	vmov s1;
	v12 =	vshrl.u32 v12, $0x3  }
0xbc: {  	v23 =	vld [tilespmem:s30+$0xFFFFFFC0];
	v19 =	vmov s14;
	v8 =	vshll.u32 v8, v1;
	v15 =	vshrl.u32 v15, $0x3  }
0xbd: {  	v24 =	vld [tilespmem:s30+$0xFFFFFFD0];
	v17 =	vshrl.u32 v17, $0x3;
	v12 =	vshll.u32 v12, v1;
	v16 =	vmul.f32 v16, v10  }
0xbe: {  	v25 =	vld [tilespmem:s30+$0xFFFFFFE0];
	v19 =	vshrl.u32 v19, $0x3;
	v10 =	vmul.f32 v20, v10;
	v9 =	vmul.f32 v9, v4  }
0xbf: {  	v26 =	vshll.u32 v19, v1;
	v19 =	vmul.f32 v21, v11;
	v22 =	vmul.f32 v22, v11;
	v11 =	vld [tilespmem:s30+$0x10];
	[tilespmem:s30+$0xFFFFFF80] =	vst v16  }
0xc0: {  	v8 =	vbroadcast v8, $0x0;
	v15 =	vshll.u32 v15, v1;
	v17 =	vshll.u32 v17, v1;
	[tilespmem:s30+$0x70] =	vst v9;
	v9 =	vld [tilespmem:s30+$0xFFFFFFF0]  }
0xc1: {  	v12 =	vadd.s32 $0x1, v12;
	v21 =	vadd.s32 $0x2, v13;
	v23 =	vmul.f32 v23, v14;
	[tilespmem:s30+$0xFFFFFF90] =	vst v10;
	v10 =	vld [tilespmem:s30+$0x0]  }
0xc2: {  	v20 =	vadd.s32 $0x3, v15;
	v13 =	vbroadcast v12, $0x0;
	v12 =	vld [tilespmem:s30+$0x20];
	v15 =	vbroadcast v21, $0x0;
	[tilespmem:s30+$0xFFFFFFA0] =	vst v19  }
0xc3: {  	v3 =	vld.idx.msk [tilespmem:v3+s22+$0x0], $0xffff;
	v21 =	vmul.f32 v25, v7;
	[tilespmem:s30+$0xFFFFFFB0] =	vst v22;
	v19 =	vmul.f32 v24, v14  }
0xc4: {  	s31 =	simm.s32 $0x10;
	s1 =	simm.s32 $0xF;
	v16 =	vadd.s32 $0x4, v17;
	v17 =	vadd.s32 $0x5, v18;
	v18 =	vadd.s32 $0x6, v26;
	[tilespmem:s30+$0xFFFFFFC0] =	vst v23;
	v14 =	vld [tilespmem:s30+$0x30]  }
.LBB2_13:
0xc5: {  	p1 =	slt.u32 s31, $0x48;
	v20 =	vbroadcast v20, $0x0;
	v22 =	vmov s1;
	[tilespmem:s30+$0xFFFFFFD0] =	vst v19;
	v7 =	vmul.f32 v9, v7;
	v9 =	vld [tilespmem:s30+$0x40]  }
0xc6: {  	v16 =	vbroadcast v16, $0x0;
	v19 =	vshrl.u32 v22, $0x3;
	[tilespmem:s30+$0xFFFFFFE0] =	vst v21;
	v10 =	vmul.f32 v10, v6;
	v21 =	vld [tilespmem:s30+$0x50]  }
0xc7: {  	v17 =	vbroadcast v17, $0x0;
	v19 =	vshll.u32 v19, v1;
	[tilespmem:s30+$0xFFFFFFF0] =	vst v7;
	v6 =	vmul.f32 v11, v6;
	v11 =	vld [tilespmem:s30+$0x60]  }
0xc8: {  	v22 =	vld.idx.msk [tilespmem:v8+s22+$0x0], $0xffff;
	v8 =	vbroadcast v18, $0x0;
	v7 =	vadd.s32 $0x7, v19;
	[tilespmem:s30+$0x0] =	vst v10;
	v10 =	vmul.f32 v12, v5  }
0xc9: {  	v12 =	vld.idx.msk [tilespmem:v13+s22+$0x0], $0xffff;
	v13 =	vbroadcast v7, $0x0;
	[tilespmem:s30+$0x10] =	vst v6;
	v5 =	vmul.f32 v14, v5  }
0xca: {  	v14 =	vld.idx.msk [tilespmem:v15+s22+$0x0], $0xffff;
	[tilespmem:s30+$0x20] =	vst v10;
	v9 =	vmul.f32 v9, v3  }
0xcb: {  	v7 =	vld.idx.msk [tilespmem:v20+s22+$0x0], $0xffff;
	[tilespmem:s30+$0x30] =	vst v5;
	v3 =	vmul.f32 v21, v3  }
0xcc: {  	v6 =	vld.idx.msk [tilespmem:v16+s22+$0x0], $0xffff;
	[tilespmem:s30+$0x40] =	vst v9;
	v4 =	vmul.f32 v11, v4  }
0xcd: {  	v5 =	vld.idx.msk [tilespmem:v17+s22+$0x0], $0xffff;
	[tilespmem:s30+$0x50] =	vst v3  }
0xce: {  	v3 =	vld.idx.msk [tilespmem:v8+s22+$0x0], $0xffff;
	[tilespmem:s30+$0x60] =	vst v4  }
0xcf: {  	v8 =	vmov s31;
	s30 =	sadd.s32 $0x100, s30;
	v4 =	vld.idx.msk [tilespmem:v13+s22+$0x0], $0xffff  }
0xd0: {  	s1 =	sadd.s32 $0x1, s31;
	s2 =	sadd.s32 $0x2, s31;
	s14 =	sadd.s32 $0x3, s31;
	v8 =	vshrl.u32 v8, $0x3;
	v9 =	vld [tilespmem:s30+$0x70]  }
0xd1: {  	v10 =	vmov s1;
	s1 =	sadd.s32 $0x4, s31;
	v11 =	vmov s2;
	s2 =	sadd.s32 $0x5, s31;
	v13 =	vmov s14;
	s14 =	sadd.s32 $0x6, s31;
	v15 =	vld [tilespmem:s30+$0xFFFFFF80]  }
0xd2: {  	v16 =	vmov s1;
	v17 =	vmov s2;
	v18 =	vmov s14;
	v19 =	vld [tilespmem:s30+$0xFFFFFF90]  }
0xd3: {  	v10 =	vshrl.u32 v10, $0x3;
	v11 =	vshrl.u32 v11, $0x3;
	v8 =	vshll.u32 v8, v1;
	v20 =	vld [tilespmem:s30+$0xFFFFFFA0]  }
0xd4: {  	v16 =	vshrl.u32 v16, $0x3;
	v17 =	vshrl.u32 v17, $0x3;
	v13 =	vshrl.u32 v13, $0x3;
	v21 =	vld [tilespmem:s30+$0xFFFFFFB0]  }
0xd5: {  	v8 =	vbroadcast v8, $0x0;
	v18 =	vshrl.u32 v18, $0x3;
	v23 =	vld [tilespmem:s30+$0xFFFFFFC0];
	v9 =	vmul.f32 v9, v4  }
0xd6: {  	v10 =	vshll.u32 v10, v1;
	v11 =	vshll.u32 v11, v1;
	v15 =	vmul.f32 v15, v22;
	v24 =	vld [tilespmem:s30+$0xFFFFFFD0]  }
0xd7: {  	v16 =	vshll.u32 v16, v1;
	v13 =	vshll.u32 v13, v1;
	v19 =	vmul.f32 v19, v22;
	v22 =	vld [tilespmem:s30+$0xFFFFFFE0];
	[tilespmem:s30+$0x70] =	vst v9  }
.Ltmp7:
0xd8: {  	v17 =	vshll.u32 v17, v1;
	v18 =	vshll.u32 v18, v1;
	[tilespmem:s30+$0xFFFFFF80] =	vst v15;
	v15 =	vmul.f32 v20, v12;
	v9 =	vld [tilespmem:s30+$0xFFFFFFF0];
	(pc) =	sbr.rel @p1 .LBB2_13-.Ltmp7, $4  }
0xd9: {  	v25 =	vadd.s32 $0x1, v10;
	v26 =	vadd.s32 $0x2, v11;
	[tilespmem:s30+$0xFFFFFF90] =	vst v19;
	v12 =	vmul.f32 v21, v12;
	v10 =	vld [tilespmem:s30+$0x0]  }
0xda: {  	v16 =	vadd.s32 $0x4, v16;
	v20 =	vadd.s32 $0x3, v13;
	[tilespmem:s30+$0xFFFFFFA0] =	vst v15;
	v21 =	vmul.f32 v23, v14;
	v11 =	vld [tilespmem:s30+$0x10]  }
0xdb: {  	v17 =	vadd.s32 $0x5, v17;
	v13 =	vbroadcast v25, $0x0;
	[tilespmem:s30+$0xFFFFFFB0] =	vst v12;
	v19 =	vmul.f32 v24, v14;
	v12 =	vld [tilespmem:s30+$0x20]  }
0xdc: {  	s1 =	sadd.s32 $0x7, s31;
	s31 =	sadd.s32 $0x8, s31;
	v18 =	vadd.s32 $0x6, v18;
	v15 =	vbroadcast v26, $0x0;
	[tilespmem:s30+$0xFFFFFFC0] =	vst v21;
	v21 =	vmul.f32 v22, v7;
	v14 =	vld [tilespmem:s30+$0x30]  }
0xdd: {  	_ = 	snop  }
0xde: {  	v23 =	vld [tilespmem:s30+$0x40]  }
0xdf: {  	v24 =	vld [tilespmem:s30+$0x50]  }
0xe0: {  	v25 =	vld [tilespmem:s30+$0x60]  }
0xe1: {  	v8 =	vld.idx.msk [tilespmem:v8+s22+$0x0], $0xffff  }
0xe2: {  	v13 =	vld.idx.msk [tilespmem:v13+s22+$0x0], $0xffff  }
0xe3: {  	s14 =	sadd.s32 $0x100, s30;
	v15 =	vld.idx.msk [tilespmem:v15+s22+$0x0], $0xffff  }
0xe4: {  	v42 =	vld [tilespmem:s14+$0x70]  }
0xe5: {  	v44 =	vld [tilespmem:s14+$0xFFFFFF80]  }
0xe6: {  	[tilespmem:s30+$0xFFFFFFD0] =	vst v19;
	v7 =	vmul.f32 v9, v7;
	v46 =	vld [tilespmem:s14+$0xFFFFFF90]  }
0xe7: {  	[tilespmem:s30+$0xFFFFFFE0] =	vst v21;
	v10 =	vmul.f32 v10, v6;
	v47 =	vld [tilespmem:s14+$0xFFFFFFA0]  }
0xe8: {  	v48 =	vld [tilespmem:s14+$0xFFFFFFB0];
	[tilespmem:s30+$0xFFFFFFF0] =	vst v7;
	v39 =	vmul.f32 v11, v6  }
0xe9: {  	v20 =	vbroadcast v20, $0x0;
	v50 =	vld [tilespmem:s14+$0xFFFFFFD0];
	[tilespmem:s30+$0x0] =	vst v10;
	v41 =	vmul.f32 v12, v5  }
0xea: {  	v51 =	vld [tilespmem:s14+$0xFFFFFFE0];
	[tilespmem:s30+$0x10] =	vst v39;
	v43 =	vmul.f32 v14, v5  }
0xeb: {  	v16 =	vbroadcast v16, $0x0;
	v53 =	vld [tilespmem:s14+$0xFFFFFFF0];
	[tilespmem:s30+$0x20] =	vst v41;
	v45 =	vmul.f32 v23, v3  }
0xec: {  	v55 =	vld [tilespmem:s14+$0x0];
	v3 =	vmul.f32 v24, v3;
	[tilespmem:s30+$0x30] =	vst v43  }
0xed: {  	v22 =	vmov s1;
	v17 =	vbroadcast v17, $0x0;
	v56 =	vld [tilespmem:s14+$0x10];
	v4 =	vmul.f32 v25, v4;
	[tilespmem:s30+$0x40] =	vst v45  }
0xee: {  	v22 =	vshrl.u32 v22, $0x3;
	v49 =	vmul.f32 v44, v8;
	[tilespmem:s30+$0x50] =	vst v3;
	v3 =	vld [tilespmem:s14+$0xFFFFFFC0]  }
0xef: {  	v18 =	vbroadcast v18, $0x0;
	v22 =	vshll.u32 v22, v1;
	v20 =	vld.idx.msk [tilespmem:v20+s22+$0x0], $0xffff;
	v8 =	vmul.f32 v46, v8;
	[tilespmem:s30+$0x60] =	vst v4  }
0xf0: {  	v57 =	vld [tilespmem:s14+$0x20];
	v22 =	vadd.s32 $0x7, v22;
	v52 =	vmul.f32 v47, v13;
	[tilespmem:s14+$0xFFFFFF80] =	vst v49  }
0xf1: {  	v22 =	vbroadcast v22, $0x0;
	v16 =	vld.idx.msk [tilespmem:v16+s22+$0x0], $0xffff;
	v54 =	vmul.f32 v48, v13;
	[tilespmem:s14+$0xFFFFFF90] =	vst v8  }
0xf2: {  	v58 =	vld [tilespmem:s14+$0x30];
	v6 =	vmul.f32 v50, v15;
	[tilespmem:s14+$0xFFFFFFA0] =	vst v52  }
0xf3: {  	v37 =	vld.idx.msk [tilespmem:v17+s22+$0x0], $0xffff;
	[tilespmem:s14+$0xFFFFFFB0] =	vst v54;
	v3 =	vmul.f32 v3, v15  }
0xf4: {  	v60 =	vld [tilespmem:s14+$0x50];
	[tilespmem:s14+$0xFFFFFFD0] =	vst v6;
	v5 =	vmul.f32 v53, v20  }
0xf5: {  	v38 =	vld.idx.msk [tilespmem:v18+s22+$0x0], $0xffff;
	[tilespmem:s14+$0xFFFFFFC0] =	vst v3;
	v3 =	vmul.f32 v51, v20  }
0xf6: {  	v59 =	vld [tilespmem:s14+$0x40];
	v4 =	vmul.f32 v56, v16;
	[tilespmem:s14+$0xFFFFFFF0] =	vst v5  }
0xf7: {  	v40 =	vld.idx.msk [tilespmem:v22+s22+$0x0], $0xffff;
	[tilespmem:s14+$0xFFFFFFE0] =	vst v3;
	v3 =	vmul.f32 v55, v16  }
0xf8: {  	v61 =	vld [tilespmem:s14+$0x60];
	v62 =	vmul.f32 v58, v37;
	[tilespmem:s14+$0x10] =	vst v4  }
0xf9: {  	[tilespmem:s14+$0x0] =	vst v3;
	v3 =	vmul.f32 v57, v37  }
0xfa: {  	v63 =	vmul.f32 v60, v38;
	[tilespmem:s14+$0x30] =	vst v62  }
0xfb: {  	[tilespmem:s14+$0x20] =	vst v3;
	v3 =	vmul.f32 v59, v38  }
.Ltmp8:
0xfc: {  	[tilespmem:s14+$0x50] =	vst v63;
	v11 =	vmul.f32 v42, v40;
	(pc) =	sbr.rel .LBB2_15-.Ltmp8, $4  }
0xfd: {  	[tilespmem:s14+$0x40] =	vst v3;
	v3 =	vmul.f32 v61, v40  }
0xfe: {  	[tilespmem:s14+$0x70] =	vst v11  }
0xff: {  	s31 =	sadd.s32 $0x7540, s29;
	[tilespmem:s14+$0x60] =	vst v3  }
0x100: {  	[spmem:s3] =	stream.indirect.scatter.add.f32 [tilespmem:s23], [sflag:$0x5], $0x20, s31, s18, $0xb8;
	[tilespmem:$0x14DC0] =	vst v63  }
.LBB2_5:
0x101: {  	_ =	swait.ge [sflag:s25], $0xA00  }
0x102: {  	p1 =	seq.s32 s28, $0x0;
	[sflag:s25] =	ssyncset.done $0x0  }
0x103: {  	s1 =	simm.s32 @!p1 $0x5;
	[sflag:s25] =	ssyncadd.s32 $0xFFFFF600  }
0x104: {  	s29 =	smul.u32 $0x50, s28;
	p2 =	seq.s32 @!p1 s28, $0x7C;
	_ =	swait.ge @!p1 [sflag:s1], $0xA00  }
0x105: {  	p2 =	por p1, !p2;
	[sflag:s1] =	ssyncset.done @!p1 $0x0  }
0x106: {  	v3 =	vmov s29;
	[sflag:s1] =	ssyncadd.s32 @!p1 $0xFFFFF600;
	s1 =	smul.u32 @p2 $0x140, s28;
	_ =	sdelay $0x1  }
0x107: {  	s1 =	sshra.s32 @p2 s1, $0x2  }
0x108: {  	s30 =	simm.s32 $0x0;
	p1 =	por $0x1, $0x1;
	s1 =	sadd.s32 @p2 $0x4E80, s1  }
0x109: {  	[tilespmem:s23], [sflag:$0x3] =	stream.indirect.gather @p2 [hbm4b:s5+s18], $0x20, s1, s18, $0xb8;
	[tilespmem:$0x14DC0] =	vst v63  }
.LBB2_6:
0x10a: {  	v4 =	vld.idx.msk [tilespmem:v3+s30+$0x4E30 ss:$0x1], $0xffff  }
0x10b: {  	v5 =	vld.idx.msk [tilespmem:v3+s30+$0x7540 ss:$0x1], $0xffff  }
0x10c: {  	v6 =	vld.idx.msk [tilespmem:v3+s30+$0x4E40 ss:$0x1], $0xffff  }
0x10d: {  	v7 =	vld.idx.msk [tilespmem:v3+s30+$0x7550 ss:$0x1], $0xffff;
	_ =	sdelay $0x2  }
0x10e: {  	v4 =	vshll.u32 v4, $0x1  }
0x10f: {  	v5 =	vshll.u32 v5, $0x1;
	v6 =	vshll.u32 v6, $0x1  }
0x110: {  	v7 =	vshll.u32 v7, $0x1;
	v5 =	vor.u32 $0x1, v5  }
0x111: {  	v7 =	vor.u32 $0x1, v7;
	_ =	sdelay $0x1  }
0x112: {  	v4 =	vld.idx.msk [tilespmem:v4+s4+$0x0], $0xffff  }
0x113: {  	v6 =	vld.idx.msk [tilespmem:v6+s4+$0x0], $0xffff  }
0x114: {  	v5 =	vld.idx.msk [tilespmem:v5+s4+$0x0], $0xffff  }
0x115: {  	v7 =	vld.idx.msk [tilespmem:v7+s4+$0x0], $0xffff;
	_ =	sdelay $0x3  }
0x116: {  	v4 =	vadd.f32 v5, v4  }
0x117: {  	v5 =	vadd.f32 v7, v6  }
0x118: {  	v63 =	vmul.f32 $2.000000030e-01, v4  }
0x119: {  	vm0 =	vge.f32 v4, $0.0e+00;
	v7 =	vmul.f32 $2.000000030e-01, v5  }
0x11a: {  	vm15 =	vge.f32 v5, $0.0e+00;
	v4 =	vsel vm0, v4, v63  }
0x11b: {  	v5 =	vsel vm15, v5, v7;
	v4 =	vsub.f32 v4, v2  }
0x11c: {  	v5 =	vsub.f32 v5, v2  }
0x11d: {  	v4 =	vmul.f32 $1.442695020e+00, v4  }
0x11e: {  	v5 =	vmul.f32 $1.442695020e+00, v5  }
0x11f: {  	(erf) = vpow2.f32 v4  }
0x120: {  	(erf) = vpow2.f32 v5;
	_ =	sdelay $0x4  }
0x121: {  	p2 =	por p1, p1  }
.Ltmp9:
0x122: {  	_ = 	snop;
	(pc) =	sbr.rel @p2 .LBB2_6-.Ltmp9, $4  }
0x123: {  	_ = 	snop  }
0x124: {  	v4 =	vpop (erf)  }
0x125: {  	[tilespmem:s30+$0xB050] =	vst v4;
	v4 =	vpop (erf)  }
0x126: {  	p1 =	por $0x0, $0x0;
	[tilespmem:s30+$0xB060] =	vst v4;
	s30 =	simm.s32 $0x20  }
0x127: {  	v3 =	vld [tilespmem:s29+$0x4E70]  }
0x128: {  	v4 =	vld [tilespmem:s29+$0x7580];
	_ =	sdelay $0x4  }
0x129: {  	v3 =	vshll.u32 v3, $0x1;
	v4 =	vshll.u32 v4, $0x1  }
0x12a: {  	v4 =	vor.u32 $0x1, v4;
	_ =	sdelay $0x2  }
0x12b: {  	s1 =	simm.s32 $0x0  }
0x12c: {  	v3 =	vld.idx.msk [tilespmem:v3+s1+$0x0], $0xffff  }
0x12d: {  	v4 =	vld.idx.msk [tilespmem:v4+s1+$0x0], $0xffff;
	_ =	sdelay $0x4  }
0x12e: {  	v3 =	vadd.f32 v4, v3;
	_ =	sdelay $0x1  }
0x12f: {  	v4 =	vmul.f32 $2.000000030e-01, v3  }
0x130: {  	vm0 =	vge.f32 v3, $0.0e+00  }
0x131: {  	v3 =	vsel vm0, v3, v4  }
0x132: {  	v3 =	vsub.f32 v3, v2;
	_ =	sdelay $0x1  }
0x133: {  	v3 =	vmul.f32 $1.442695020e+00, v3  }
0x134: {  	s30 =	simm.s32 $0x2;
	s31 =	simm.s32 $0x3  }
0x135: {  	s2 =	simm.s32 $0x4;
	v5 =	vmov s30;
	v6 =	vmov s31;
	s30 =	simm.s32 $0x5;
	(erf) = vpow2.f32 v3  }
0x136: {  	s14 =	simm.s32 $0x1;
	v7 =	vmov s2;
	v8 =	vmov s30;
	v4 =	vmov s1  }
0x137: {  	v5 =	vshrl.u32 v5, $0x3;
	v3 =	vshrl.u32 v4, $0x3;
	v4 =	vmov s14  }
0x138: {  	v6 =	vshrl.u32 v6, $0x3;
	v7 =	vshrl.u32 v7, $0x3;
	v4 =	vshrl.u32 v4, $0x3  }
0x139: {  	v8 =	vshrl.u32 v8, $0x3;
	v3 =	vshll.u32 v3, v1;
	v4 =	vshll.u32 v4, v1  }
0x13a: {  	v5 =	vshll.u32 v5, v1;
	v3 =	vbroadcast v3, $0x0;
	v4 =	vadd.s32 $0x1, v4  }
0x13b: {  	v6 =	vshll.u32 v6, v1;
	v5 =	vadd.s32 $0x2, v5;
	v4 =	vbroadcast v4, $0x0  }
0x13c: {  	v7 =	vshll.u32 v7, v1;
	v6 =	vadd.s32 $0x3, v6;
	v5 =	vbroadcast v5, $0x0  }
0x13d: {  	v8 =	vshll.u32 v8, v1;
	v7 =	vadd.s32 $0x4, v7;
	v6 =	vbroadcast v6, $0x0  }
0x13e: {  	v8 =	vadd.s32 $0x5, v8;
	v12 =	vbroadcast v7, $0x0;
	s14 =	simm.s32 $0x7;
	v11 =	vpop (erf)  }
0x13f: {  	v8 =	vbroadcast v8, $0x0;
	v10 =	vmov s14;
	[tilespmem:$0xB090] =	vst v11  }
0x140: {  	v7 =	vshrl.u32 v10, $0x3;
	v10 =	vld.idx.msk [tilespmem:v3+s22+$0x0], $0xffff  }
0x141: {  	s31 =	simm.s32 $0x6;
	v7 =	vshll.u32 v7, v1;
	v11 =	vld.idx.msk [tilespmem:v4+s22+$0x0], $0xffff  }
0x142: {  	v9 =	vmov s31;
	v7 =	vadd.s32 $0x7, v7;
	v14 =	vld.idx.msk [tilespmem:v5+s22+$0x0], $0xffff  }
0x143: {  	v9 =	vshrl.u32 v9, $0x3;
	v4 =	vbroadcast v7, $0x0;
	v7 =	vld.idx.msk [tilespmem:v6+s22+$0x0], $0xffff  }
0x144: {  	v9 =	vshll.u32 v9, v1;
	v6 =	vld.idx.msk [tilespmem:v12+s22+$0x0], $0xffff  }
0x145: {  	s30 =	simm.s32 $0x9CD0;
	v9 =	vadd.s32 $0x6, v9;
	v5 =	vld.idx.msk [tilespmem:v8+s22+$0x0], $0xffff  }
0x146: {  	v3 =	vbroadcast v9, $0x0;
	v9 =	vld [tilespmem:s30+$0x70]  }
0x147: {  	s31 =	simm.s32 $0xA;
	v16 =	vld [tilespmem:s30+$0xFFFFFF80]  }
0x148: {  	v13 =	vmov s31;
	s31 =	simm.s32 $0xE;
	v20 =	vld [tilespmem:s30+$0xFFFFFF90]  }
0x149: {  	s2 =	simm.s32 $0x8;
	v19 =	vmov s31;
	v13 =	vshrl.u32 v13, $0x3;
	v21 =	vld [tilespmem:s30+$0xFFFFFFA0]  }
0x14a: {  	v19 =	vshrl.u32 v19, $0x3;
	v13 =	vshll.u32 v13, v1;
	s14 =	simm.s32 $0x9;
	v8 =	vmov s2;
	v4 =	vld.idx.msk [tilespmem:v4+s22+$0x0], $0xffff  }
0x14b: {  	v26 =	vshll.u32 v19, v1;
	s2 =	simm.s32 $0xB;
	v12 =	vmov s14;
	s14 =	simm.s32 $0xD;
	v22 =	vld [tilespmem:s30+$0xFFFFFFB0];
	v8 =	vshrl.u32 v8, $0x3  }
0x14c: {  	v15 =	vmov s2;
	s2 =	simm.s32 $0xC;
	v18 =	vmov s14;
	v12 =	vshrl.u32 v12, $0x3  }
0x14d: {  	v23 =	vld [tilespmem:s30+$0xFFFFFFC0];
	v17 =	vmov s2;
	v8 =	vshll.u32 v8, v1;
	v15 =	vshrl.u32 v15, $0x3  }
0x14e: {  	v24 =	vld [tilespmem:s30+$0xFFFFFFD0];
	v18 =	vshrl.u32 v18, $0x3;
	v8 =	vbroadcast v8, $0x0;
	v16 =	vmul.f32 v16, v10  }
0x14f: {  	v25 =	vld [tilespmem:s30+$0xFFFFFFE0];
	v12 =	vshll.u32 v12, v1;
	v10 =	vmul.f32 v20, v10;
	v9 =	vmul.f32 v9, v4  }
0x150: {  	v17 =	vshrl.u32 v17, $0x3;
	v19 =	vmul.f32 v21, v11;
	v22 =	vmul.f32 v22, v11;
	v11 =	vld [tilespmem:s30+$0x10];
	[tilespmem:s30+$0xFFFFFF80] =	vst v16  }
0x151: {  	v15 =	vshll.u32 v15, v1;
	v18 =	vshll.u32 v18, v1;
	v12 =	vadd.s32 $0x1, v12;
	[tilespmem:s30+$0x70] =	vst v9;
	v9 =	vld [tilespmem:s30+$0xFFFFFFF0]  }
0x152: {  	v17 =	vshll.u32 v17, v1;
	v21 =	vadd.s32 $0x2, v13;
	v23 =	vmul.f32 v23, v14;
	[tilespmem:s30+$0xFFFFFF90] =	vst v10;
	v10 =	vld [tilespmem:s30+$0x0]  }
0x153: {  	v20 =	vadd.s32 $0x3, v15;
	v13 =	vbroadcast v12, $0x0;
	v12 =	vld [tilespmem:s30+$0x20];
	v15 =	vbroadcast v21, $0x0;
	[tilespmem:s30+$0xFFFFFFA0] =	vst v19  }
0x154: {  	v3 =	vld.idx.msk [tilespmem:v3+s22+$0x0], $0xffff;
	v21 =	vmul.f32 v25, v7;
	[tilespmem:s30+$0xFFFFFFB0] =	vst v22;
	v19 =	vmul.f32 v24, v14  }
0x155: {  	s31 =	simm.s32 $0x10;
	s1 =	simm.s32 $0xF;
	v16 =	vadd.s32 $0x4, v17;
	v17 =	vadd.s32 $0x5, v18;
	v18 =	vadd.s32 $0x6, v26;
	[tilespmem:s30+$0xFFFFFFC0] =	vst v23;
	v14 =	vld [tilespmem:s30+$0x30]  }
.LBB2_8:
0x156: {  	p1 =	slt.u32 s31, $0x48;
	v20 =	vbroadcast v20, $0x0;
	v22 =	vmov s1;
	[tilespmem:s30+$0xFFFFFFD0] =	vst v19;
	v7 =	vmul.f32 v9, v7;
	v9 =	vld [tilespmem:s30+$0x40]  }
0x157: {  	v16 =	vbroadcast v16, $0x0;
	v10 =	vmul.f32 v10, v6;
	v19 =	vshrl.u32 v22, $0x3;
	[tilespmem:s30+$0xFFFFFFE0] =	vst v21;
	v21 =	vld [tilespmem:s30+$0x50]  }
0x158: {  	v17 =	vbroadcast v17, $0x0;
	v6 =	vmul.f32 v11, v6;
	v19 =	vshll.u32 v19, v1;
	[tilespmem:s30+$0xFFFFFFF0] =	vst v7;
	v11 =	vld [tilespmem:s30+$0x60]  }
0x159: {  	v22 =	vld.idx.msk [tilespmem:v8+s22+$0x0], $0xffff;
	v8 =	vbroadcast v18, $0x0;
	v7 =	vadd.s32 $0x7, v19;
	[tilespmem:s30+$0x0] =	vst v10;
	v10 =	vmul.f32 v12, v5  }
0x15a: {  	v5 =	vmul.f32 v14, v5;
	v12 =	vld.idx.msk [tilespmem:v13+s22+$0x0], $0xffff;
	v13 =	vbroadcast v7, $0x0;
	[tilespmem:s30+$0x10] =	vst v6  }
0x15b: {  	v14 =	vld.idx.msk [tilespmem:v15+s22+$0x0], $0xffff;
	[tilespmem:s30+$0x20] =	vst v10;
	v9 =	vmul.f32 v9, v3  }
0x15c: {  	v7 =	vld.idx.msk [tilespmem:v20+s22+$0x0], $0xffff;
	[tilespmem:s30+$0x30] =	vst v5;
	v3 =	vmul.f32 v21, v3  }
0x15d: {  	v6 =	vld.idx.msk [tilespmem:v16+s22+$0x0], $0xffff;
	[tilespmem:s30+$0x40] =	vst v9;
	v4 =	vmul.f32 v11, v4  }
0x15e: {  	v5 =	vld.idx.msk [tilespmem:v17+s22+$0x0], $0xffff;
	[tilespmem:s30+$0x50] =	vst v3  }
0x15f: {  	v3 =	vld.idx.msk [tilespmem:v8+s22+$0x0], $0xffff;
	[tilespmem:s30+$0x60] =	vst v4  }
0x160: {  	v8 =	vmov s31;
	s30 =	sadd.s32 $0x100, s30;
	v4 =	vld.idx.msk [tilespmem:v13+s22+$0x0], $0xffff  }
0x161: {  	s1 =	sadd.s32 $0x1, s31;
	s2 =	sadd.s32 $0x2, s31;
	s14 =	sadd.s32 $0x3, s31;
	v8 =	vshrl.u32 v8, $0x3;
	v9 =	vld [tilespmem:s30+$0x70]  }
0x162: {  	v10 =	vmov s1;
	s1 =	sadd.s32 $0x4, s31;
	v11 =	vmov s2;
	s2 =	sadd.s32 $0x5, s31;
	v13 =	vmov s14;
	s14 =	sadd.s32 $0x6, s31;
	v15 =	vld [tilespmem:s30+$0xFFFFFF80]  }
0x163: {  	v16 =	vmov s1;
	v17 =	vmov s2;
	v18 =	vmov s14;
	v19 =	vld [tilespmem:s30+$0xFFFFFF90]  }
0x164: {  	v10 =	vshrl.u32 v10, $0x3;
	v11 =	vshrl.u32 v11, $0x3;
	v8 =	vshll.u32 v8, v1;
	v20 =	vld [tilespmem:s30+$0xFFFFFFA0]  }
0x165: {  	v16 =	vshrl.u32 v16, $0x3;
	v17 =	vshrl.u32 v17, $0x3;
	v13 =	vshrl.u32 v13, $0x3;
	v21 =	vld [tilespmem:s30+$0xFFFFFFB0]  }
0x166: {  	v8 =	vbroadcast v8, $0x0;
	v18 =	vshrl.u32 v18, $0x3;
	v23 =	vld [tilespmem:s30+$0xFFFFFFC0];
	v9 =	vmul.f32 v9, v4  }
0x167: {  	v10 =	vshll.u32 v10, v1;
	v11 =	vshll.u32 v11, v1;
	v15 =	vmul.f32 v15, v22;
	v24 =	vld [tilespmem:s30+$0xFFFFFFD0]  }
0x168: {  	v16 =	vshll.u32 v16, v1;
	v13 =	vshll.u32 v13, v1;
	v19 =	vmul.f32 v19, v22;
	v22 =	vld [tilespmem:s30+$0xFFFFFFE0];
	[tilespmem:s30+$0x70] =	vst v9  }
.Ltmp10:
0x169: {  	v17 =	vshll.u32 v17, v1;
	v18 =	vshll.u32 v18, v1;
	[tilespmem:s30+$0xFFFFFF80] =	vst v15;
	v15 =	vmul.f32 v20, v12;
	v9 =	vld [tilespmem:s30+$0xFFFFFFF0];
	(pc) =	sbr.rel @p1 .LBB2_8-.Ltmp10, $4  }
0x16a: {  	v25 =	vadd.s32 $0x1, v10;
	v26 =	vadd.s32 $0x2, v11;
	[tilespmem:s30+$0xFFFFFF90] =	vst v19;
	v12 =	vmul.f32 v21, v12;
	v10 =	vld [tilespmem:s30+$0x0]  }
0x16b: {  	v16 =	vadd.s32 $0x4, v16;
	v20 =	vadd.s32 $0x3, v13;
	[tilespmem:s30+$0xFFFFFFA0] =	vst v15;
	v21 =	vmul.f32 v23, v14;
	v11 =	vld [tilespmem:s30+$0x10]  }
0x16c: {  	v17 =	vadd.s32 $0x5, v17;
	v13 =	vbroadcast v25, $0x0;
	[tilespmem:s30+$0xFFFFFFB0] =	vst v12;
	v19 =	vmul.f32 v24, v14;
	v12 =	vld [tilespmem:s30+$0x20]  }
0x16d: {  	s1 =	sadd.s32 $0x7, s31;
	s31 =	sadd.s32 $0x8, s31;
	v18 =	vadd.s32 $0x6, v18;
	v15 =	vbroadcast v26, $0x0;
	[tilespmem:s30+$0xFFFFFFC0] =	vst v21;
	v21 =	vmul.f32 v22, v7;
	v14 =	vld [tilespmem:s30+$0x30]  }
.Ltmp11:
0x16e: {  	_ = 	snop;
	(pc) =	sbr.rel .LBB2_9-.Ltmp11, $1  }
0x16f: {  	_ =	sdelay $0x3  }
.LBB2_17:
0x170: {  	_ =	sfence.sel $0x180000  }
0x171: {  	[bflag:$0x0] =	sbarrier.arrive $0xFFFF  }
0x172: {  	_ =	strace $0x90000047  }
0x173: {  	[bflag:$0x2] =	sbarrier.arrive $0xFFFF  }
0x174: {  	p0 =	sne.s32 s0, $0x0;
	s0 =	rddreg [dreg:$0x3]  }
0x175: {  	s0 =	sadd.s32 @!p0 $0x100000, s0  }
0x176: {  	[sflag:s0] =	ssyncadd.tile.s32 @!p0 $0x1;
	_ =	shalt  }
.Lfunc_end2:
_tile_overlayer_lowered:
.L_overlay_start_2:
0x177: {  	(tag) =	ssettag $0x2  }
0x178: {  	s0 =	rddreg [dreg:$0x0];
	s2 =	stileid.u32  }
0x179: {  	s1 =	rddreg [dreg:$0x1];
	p0 =	sne.s32 s2, $0x0  }
0x17a: {  	s3 =	rddreg [dreg:$0x2];
	[bflag:$0x3] =	sbarrier.arrive $0xFFFF;
	s2 =	simm.s32 @!p0 $0x1C06  }
0x17b: {  	[timem:s3], [sflag:s2] =	dma.local @!p0 [hbm:s0], s1  }
0x17c: {  	s0 =	simm.s32 @!p0 $0x6  }
0x17d: {  	_ =	swait.ge @!p0 [sflag:s0], s1  }
0x17e: {  	s1 =	ssub.s32 @!p0 $0x0, s1;
	[sflag:s0] =	ssyncset.done @!p0 $0x0  }
0x17f: {  	[sflag:s0] =	ssyncadd.s32 @!p0 s1  }
0x180: {  	[bflag:$0x3] =	sbarrier.arrive $0xFFFF  }
0x181: {  	_ =	shalt  }

</sc_bundles>
